<compile_context>
chip_gen: v7x
topology: tpu7x:2x2x1
jax: 0.10.2.dev20260603
libtpu: 0.0.44.dev20260713+nightly
codegen_flags: <defaults>
</compile_context>

<pallas_src>
import jax
import jax.numpy as jnp
from jax import lax
from jax.experimental import pallas as pl
from jax.experimental.pallas import tpu as pltpu
from jax.experimental.pallas import tpu_sc as plsc

_N = 100000
_NV = _N // 16
_NC = 2
_NW = 32
_BASE = _NV // _NW
_REM = _NV - _BASE * _NW
_MAXV = _BASE + 1


def _sc_body(t_hbm, c_hbm, r_hbm, p_hbm, out_hbm,
             t_v, c_v, r_v, x_v, y_v, z_v, a0_v, a1_v):
    f32 = jnp.float32
    i32 = jnp.int32
    wid = lax.axis_index("s") * _NC + lax.axis_index("c")
    nv = _BASE + jnp.where(wid < _REM, 1, 0)
    start = wid * _BASE + jnp.minimum(wid, _REM)

    pltpu.sync_copy(t_hbm, t_v)
    pltpu.sync_copy(c_hbm, c_v)
    pltpu.sync_copy(r_hbm, r_v)
    base = start * 16
    pltpu.sync_copy(p_hbm.at[pl.ds(base, _BASE * 16)],
                    x_v.at[pl.ds(0, _BASE * 16)])
    pltpu.sync_copy(p_hbm.at[pl.ds(_N + base, _BASE * 16)],
                    y_v.at[pl.ds(0, _BASE * 16)])
    pltpu.sync_copy(p_hbm.at[pl.ds(2 * _N + base, _BASE * 16)],
                    z_v.at[pl.ds(0, _BASE * 16)])

    @pl.when(wid < _REM)
    def _tail():
        e = base + _BASE * 16
        pltpu.sync_copy(p_hbm.at[pl.ds(e, 16)],
                        x_v.at[pl.ds(_BASE * 16, 16)])
        pltpu.sync_copy(p_hbm.at[pl.ds(_N + e, 16)],
                        y_v.at[pl.ds(_BASE * 16, 16)])
        pltpu.sync_copy(p_hbm.at[pl.ds(2 * _N + e, 16)],
                        z_v.at[pl.ds(_BASE * 16, 16)])

    gt = t_v[...]

    def coeffs(est_v):
        d = est_v[...] - gt
        return [jnp.full((16,), d[b * 4 + a], f32)
                for b in range(3) for a in range(4)]

    kc = coeffs(c_v)
    kr = coeffs(r_v)

    half = jnp.full((16,), 0.5, f32)
    c15 = jnp.full((16,), 1.5, f32)
    eps = jnp.full((16,), 1e-30, f32)
    magic = jnp.full((16,), 0x5F3759DF, i32)
    one_i = jnp.full((16,), 1, i32)

    def norm(k, x, y, z):
        e0 = k[0] * x + k[1] * y + k[2] * z + k[3]
        e1 = k[4] * x + k[5] * y + k[6] * z + k[7]
        e2 = k[8] * x + k[9] * y + k[10] * z + k[11]
        d2 = e0 * e0 + e1 * e1 + e2 * e2 + eps
        gi = magic - lax.shift_right_logical(plsc.bitcast(d2, i32), one_i)
        g = plsc.bitcast(gi, f32)
        for _ in range(3):
            g = g * (c15 - half * d2 * (g * g))
        return d2 * g

    def body(v, carry):
        ac, ar = carry
        off = v * 16
        x = x_v[pl.ds(off, 16)]
        y = y_v[pl.ds(off, 16)]
        z = z_v[pl.ds(off, 16)]
        w = jnp.full((16,), jnp.where(v < nv, f32(1.0), f32(0.0)), f32)
        ac = ac + norm(kc, x, y, z) * w
        ar = ar + norm(kr, x, y, z) * w
        return ac, ar

    zero = jnp.zeros((16,), f32)
    acc_c, acc_r = lax.fori_loop(0, _MAXV, body, (zero, zero))
    a0_v[...] = acc_c
    a1_v[...] = acc_r
    pltpu.sync_copy(a0_v, out_hbm.at[0, pl.ds(wid * 16, 16)])
    pltpu.sync_copy(a1_v, out_hbm.at[1, pl.ds(wid * 16, 16)])


def _acos(x):
    ax = jnp.abs(x)
    p = jnp.float32(-0.0012624911)
    for c in (0.0066700901, -0.0170881256, 0.0308918810, -0.0501743046,
              0.0889789874, -0.2145988016, 1.5707963050):
        p = p * ax + jnp.float32(c)
    r = jnp.sqrt(jnp.maximum(1.0 - ax, 0.0)) * p
    return jnp.where(x >= 0, r, jnp.float32(jnp.pi) - r)


def _fin_body(t_ref, c_ref, r_ref, v_ref, p_ref, out_ref):
    f32 = jnp.float32
    sums = jnp.sum(p_ref[...], axis=1)
    rmse_c = sums[0] * (1.0 / _N)
    rmse_r = sums[1] * (1.0 / _N)

    deg = f32(180.0 / jnp.pi)

    def scalars(est_ref):
        tr = f32(0.0)
        for b in range(3):
            for a in range(3):
                tr = tr + est_ref[b, a] * t_ref[b, a]
        x = jnp.clip(0.5 * (tr - 1.0), -1.0, 1.0)
        rre = _acos(x) * deg
        s2 = f32(0.0)
        for b in range(3):
            d = t_ref[b, 3] - est_ref[b, 3]
            s2 = s2 + d * d
        rte = jnp.sqrt(s2)
        recall = jnp.where((rre < 15.0) & (rte < 0.3), f32(1.0), f32(0.0))
        return rre, rte, recall

    rre_c, rte_c, recall_c = scalars(c_ref)
    rre_r, rte_r, recall_r = scalars(r_ref)

    out_ref[0] = rre_c
    out_ref[1] = rte_c
    out_ref[2] = rmse_c
    out_ref[3] = recall_c
    out_ref[4] = rre_r
    out_ref[5] = rte_r
    out_ref[6] = rmse_r
    out_ref[7] = recall_r
    out_ref[8] = v_ref[0]


@jax.jit
def kernel(transform_raw, coarse_trans, refined_trans, src_points, var_rt):
    transform = transform_raw[0]
    planes = src_points.T

    mesh = plsc.VectorSubcoreMesh(core_axis_name="c", subcore_axis_name="s")
    part = pl.kernel(
        _sc_body,
        mesh=mesh,
        compiler_params=pltpu.CompilerParams(needs_layout_passes=False),
        out_type=jax.ShapeDtypeStruct((2, _NW * 16), jnp.float32),
        scratch_types=[
            pltpu.VMEM((16,), jnp.float32),
            pltpu.VMEM((16,), jnp.float32),
            pltpu.VMEM((16,), jnp.float32),
            pltpu.VMEM((_MAXV * 16,), jnp.float32),
            pltpu.VMEM((_MAXV * 16,), jnp.float32),
            pltpu.VMEM((_MAXV * 16,), jnp.float32),
            pltpu.VMEM((16,), jnp.float32),
            pltpu.VMEM((16,), jnp.float32),
        ],
    )(transform.reshape(16), coarse_trans.reshape(16),
      refined_trans.reshape(16), planes.reshape(3 * _N))

    out = pl.pallas_call(
        _fin_body,
        in_specs=[pl.BlockSpec(memory_space=pltpu.SMEM)] * 4
        + [pl.BlockSpec(memory_space=pltpu.VMEM)],
        out_specs=pl.BlockSpec(memory_space=pltpu.SMEM),
        out_shape=jax.ShapeDtypeStruct((9,), jnp.float32),
    )(transform, coarse_trans, refined_trans, var_rt, part)
    return out

# --- scband reference (transcript-rebuilt; emitter-appended) ---
"""Pipeline reference for scband-ddpmevaluator-82892868812862 (READ-ONLY COPY).

The authoritative reference and input builder live on the scoring server;
editing this copy changes nothing except your own understanding.
"""

import jax, jax.numpy as jnp
import numpy as np

ACCEPTANCE_RRE = 15.0
ACCEPTANCE_RTE = 0.3


def apply_transform(points, transform):
    R = transform[:3, :3]
    t = transform[:3, 3]
    return points @ R.T + t


def isotropic_transform_error(gt_transform, est_transform):
    gt_R = gt_transform[:3, :3]
    gt_t = gt_transform[:3, 3]
    est_R = est_transform[:3, :3]
    est_t = est_transform[:3, 3]
    x = 0.5 * (jnp.trace(est_R.T @ gt_R) - 1.0)
    x = jnp.clip(x, -1.0, 1.0)
    rre = jnp.degrees(jnp.arccos(x))
    rte = jnp.linalg.norm(gt_t - est_t)
    return rre, rte


def setup_inputs(seed: int = 0) -> dict:
    key = jax.random.key(seed)
    k1, k2, k3, k4, k5 = jax.random.split(key, 5)
    transform_raw = jax.random.normal(k1, (1, 4, 4), dtype=jnp.float32)
    coarse_trans = jax.random.normal(k2, (4, 4), dtype=jnp.float32)
    refined_trans = jax.random.normal(k3, (4, 4), dtype=jnp.float32)
    src_points = jax.random.normal(k4, (100000, 3), dtype=jnp.float32)
    var_rt = jax.random.normal(k5, (1,), dtype=jnp.float32)
    return {
        "transform_raw": transform_raw,
        "coarse_trans": coarse_trans,
        "refined_trans": refined_trans,
        "src_points": src_points,
        "var_rt": var_rt,
    }


def reference(transform_raw, coarse_trans, refined_trans, src_points, var_rt):
    transform = jnp.squeeze(transform_raw, axis=0)

    def evaluate_registration(est_transform):
        rre, rte = isotropic_transform_error(transform, est_transform)
        recall = jnp.logical_and(rre < ACCEPTANCE_RRE, rte < ACCEPTANCE_RTE).astype(jnp.float32)
        gt_src_points = apply_transform(src_points, transform)
        est_src_points = apply_transform(src_points, est_transform)
        rmse = jnp.linalg.norm(est_src_points - gt_src_points, axis=1).mean()
        return rre, rte, rmse, recall

    rre_c, rte_c, rmse_c, recall_c = evaluate_registration(coarse_trans)
    rre_r, rte_r, rmse_r, recall_r = evaluate_registration(refined_trans)
    return jnp.stack([rre_c, rte_c, rmse_c, recall_c,
                      rre_r, rte_r, rmse_r, recall_r,
                      var_rt[0]])

if __name__ == "__main__":
    import jax
    _d = setup_inputs()
    print(jax.jit(kernel)(*tuple(_d.values())))

</pallas_src>

<mosaic_0001>
#map = affine_map<(d0, d1) -> (0)>
#map1 = affine_map<(d0, d1) -> (0, 0)>
module attributes {stable_mosaic.version = 14 : i64} {
  func.func @_sc_body(%arg0: i32, %arg1: i32, %arg2: memref<16xf32, #tpu.memory_space<hbm>>, %arg3: memref<16xf32, #tpu.memory_space<hbm>>, %arg4: memref<16xf32, #tpu.memory_space<hbm>>, %arg5: memref<300000xf32, #tpu.memory_space<hbm>>, %arg6: memref<2x512xf32, #tpu.memory_space<hbm>>, %arg7: memref<16xf32, #tpu.memory_space<vmem>>, %arg8: memref<16xf32, #tpu.memory_space<vmem>>, %arg9: memref<16xf32, #tpu.memory_space<vmem>>, %arg10: memref<3136xf32, #tpu.memory_space<vmem>>, %arg11: memref<3136xf32, #tpu.memory_space<vmem>>, %arg12: memref<3136xf32, #tpu.memory_space<vmem>>, %arg13: memref<16xf32, #tpu.memory_space<vmem>>, %arg14: memref<16xf32, #tpu.memory_space<vmem>>) attributes {dimension_semantics = [#tpu.dimension_semantics<core_parallel>, #tpu.dimension_semantics<subcore_parallel>], iteration_bounds = array<i64: 2, 16>, scalar_prefetch = 0 : i64, scratch_operands = 8 : i64, tpu.core_type = #tpu.core_type<sc_vector_subcore>, window_params = [{transform_indices = #map}, {transform_indices = #map}, {transform_indices = #map}, {transform_indices = #map}, {transform_indices = #map1}]} {
    %mul3A = arith.constant 2 : i32
    %mul3A_0 = arith.muli %arg1, %mul3A : i32
    %add3A = arith.addi %mul3A_0, %arg0 : i32
    %lt3A = arith.constant 10 : i32
    %lt3A_1 = arith.cmpi slt, %add3A, %lt3A : i32
    %jit3A = arith.constant 1 : i32
    %jit3A_2 = arith.constant 0 : i32
    %select_n3A = arith.select %lt3A_1, %jit3A, %jit3A_2 : i32
    %add3A_3 = arith.constant 195 : i32
    %add3A_4 = arith.addi %add3A_3, %select_n3A : i32
    %mul3A_5 = arith.constant 195 : i32
    %mul3A_6 = arith.muli %add3A, %mul3A_5 : i32
    %min3A = arith.constant 10 : i32
    %min3A_7 = arith.minsi %add3A, %min3A : i32
    %add3A_8 = arith.addi %mul3A_6, %min3A_7 : i32
    "tpu.region"() ({
      %run_scoped3A_118 = tpu.sem_alloc : memref<!tpu.dma_semaphore, #tpu.memory_space<semaphore_mem>>
      tpu.enqueue_dma source(%arg2 : memref<16xf32, #tpu.memory_space<hbm>>) target(%arg7 : memref<16xf32, #tpu.memory_space<vmem>>) target_semaphore(%run_scoped3A_118 : memref<!tpu.dma_semaphore, #tpu.memory_space<semaphore_mem>>)
      tpu.wait_dma2 semaphore(%run_scoped3A_118 : memref<!tpu.dma_semaphore, #tpu.memory_space<semaphore_mem>>) src(%arg2 : memref<16xf32, #tpu.memory_space<hbm>>) dst(%arg7 : memref<16xf32, #tpu.memory_space<vmem>>)
      tpu.yield
    }) : () -> ()
    "tpu.region"() ({
      %run_scoped3A_118 = tpu.sem_alloc : memref<!tpu.dma_semaphore, #tpu.memory_space<semaphore_mem>>
      tpu.enqueue_dma source(%arg3 : memref<16xf32, #tpu.memory_space<hbm>>) target(%arg8 : memref<16xf32, #tpu.memory_space<vmem>>) target_semaphore(%run_scoped3A_118 : memref<!tpu.dma_semaphore, #tpu.memory_space<semaphore_mem>>)
      tpu.wait_dma2 semaphore(%run_scoped3A_118 : memref<!tpu.dma_semaphore, #tpu.memory_space<semaphore_mem>>) src(%arg3 : memref<16xf32, #tpu.memory_space<hbm>>) dst(%arg8 : memref<16xf32, #tpu.memory_space<vmem>>)
      tpu.yield
    }) : () -> ()
    "tpu.region"() ({
      %run_scoped3A_118 = tpu.sem_alloc : memref<!tpu.dma_semaphore, #tpu.memory_space<semaphore_mem>>
      tpu.enqueue_dma source(%arg4 : memref<16xf32, #tpu.memory_space<hbm>>) target(%arg9 : memref<16xf32, #tpu.memory_space<vmem>>) target_semaphore(%run_scoped3A_118 : memref<!tpu.dma_semaphore, #tpu.memory_space<semaphore_mem>>)
      tpu.wait_dma2 semaphore(%run_scoped3A_118 : memref<!tpu.dma_semaphore, #tpu.memory_space<semaphore_mem>>) src(%arg4 : memref<16xf32, #tpu.memory_space<hbm>>) dst(%arg9 : memref<16xf32, #tpu.memory_space<vmem>>)
      tpu.yield
    }) : () -> ()
    %mul3A_9 = arith.constant 16 : i32
    %mul3A_10 = arith.muli %add3A_8, %mul3A_9 : i32
    "tpu.region"() ({
      %run_scoped3A_118 = tpu.sem_alloc : memref<!tpu.dma_semaphore, #tpu.memory_space<semaphore_mem>>
      %dma_start3A = arith.constant 0 : i32
      %dma_start3A_119 = tpu.memref_slice %arg10[%dma_start3A] : memref<3136xf32, #tpu.memory_space<vmem>> -> memref<3120xf32, #tpu.memory_space<vmem>>
      %dma_start3A_120 = tpu.memref_slice %arg5[%mul3A_10] : memref<300000xf32, #tpu.memory_space<hbm>> -> memref<3120xf32, #tpu.memory_space<hbm>>
      %dma_start3A_121 = arith.constant 0 : i32
      %dma_start3A_122 = tpu.memref_slice %arg10[%dma_start3A_121] : memref<3136xf32, #tpu.memory_space<vmem>> -> memref<3120xf32, #tpu.memory_space<vmem>>
      %dma_start3A_123 = tpu.memref_slice %arg5[%mul3A_10] : memref<300000xf32, #tpu.memory_space<hbm>> -> memref<3120xf32, #tpu.memory_space<hbm>>
      tpu.enqueue_dma source(%dma_start3A_123 : memref<3120xf32, #tpu.memory_space<hbm>>) target(%dma_start3A_122 : memref<3120xf32, #tpu.memory_space<vmem>>) target_semaphore(%run_scoped3A_118 : memref<!tpu.dma_semaphore, #tpu.memory_space<semaphore_mem>>)
      %dma_wait3A = arith.constant 0 : i32
      %dma_wait3A_124 = tpu.memref_slice %arg10[%dma_wait3A] : memref<3136xf32, #tpu.memory_space<vmem>> -> memref<3120xf32, #tpu.memory_space<vmem>>
      %dma_wait3A_125 = tpu.memref_slice %arg5[%mul3A_10] : memref<300000xf32, #tpu.memory_space<hbm>> -> memref<3120xf32, #tpu.memory_space<hbm>>
      %dma_wait3A_126 = arith.constant 0 : i32
      %dma_wait3A_127 = tpu.memref_slice %arg10[%dma_wait3A_126] : memref<3136xf32, #tpu.memory_space<vmem>> -> memref<3120xf32, #tpu.memory_space<vmem>>
      %dma_wait3A_128 = tpu.memref_slice %arg5[%mul3A_10] : memref<300000xf32, #tpu.memory_space<hbm>> -> memref<3120xf32, #tpu.memory_space<hbm>>
      tpu.wait_dma2 semaphore(%run_scoped3A_118 : memref<!tpu.dma_semaphore, #tpu.memory_space<semaphore_mem>>) src(%dma_wait3A_128 : memref<3120xf32, #tpu.memory_space<hbm>>) dst(%dma_wait3A_127 : memref<3120xf32, #tpu.memory_space<vmem>>)
      tpu.yield
    }) : () -> ()
    %add3A_11 = arith.constant 100000 : i32
    %add3A_12 = arith.addi %add3A_11, %mul3A_10 : i32
    "tpu.region"() ({
      %run_scoped3A_118 = tpu.sem_alloc : memref<!tpu.dma_semaphore, #tpu.memory_space<semaphore_mem>>
      %dma_start3A = arith.constant 0 : i32
      %dma_start3A_119 = tpu.memref_slice %arg11[%dma_start3A] : memref<3136xf32, #tpu.memory_space<vmem>> -> memref<3120xf32, #tpu.memory_space<vmem>>
      %dma_start3A_120 = tpu.memref_slice %arg5[%add3A_12] : memref<300000xf32, #tpu.memory_space<hbm>> -> memref<3120xf32, #tpu.memory_space<hbm>>
      %dma_start3A_121 = arith.constant 0 : i32
      %dma_start3A_122 = tpu.memref_slice %arg11[%dma_start3A_121] : memref<3136xf32, #tpu.memory_space<vmem>> -> memref<3120xf32, #tpu.memory_space<vmem>>
      %dma_start3A_123 = tpu.memref_slice %arg5[%add3A_12] : memref<300000xf32, #tpu.memory_space<hbm>> -> memref<3120xf32, #tpu.memory_space<hbm>>
      tpu.enqueue_dma source(%dma_start3A_123 : memref<3120xf32, #tpu.memory_space<hbm>>) target(%dma_start3A_122 : memref<3120xf32, #tpu.memory_space<vmem>>) target_semaphore(%run_scoped3A_118 : memref<!tpu.dma_semaphore, #tpu.memory_space<semaphore_mem>>)
      %dma_wait3A = arith.constant 0 : i32
      %dma_wait3A_124 = tpu.memref_slice %arg11[%dma_wait3A] : memref<3136xf32, #tpu.memory_space<vmem>> -> memref<3120xf32, #tpu.memory_space<vmem>>
      %dma_wait3A_125 = tpu.memref_slice %arg5[%add3A_12] : memref<300000xf32, #tpu.memory_space<hbm>> -> memref<3120xf32, #tpu.memory_space<hbm>>
      %dma_wait3A_126 = arith.constant 0 : i32
      %dma_wait3A_127 = tpu.memref_slice %arg11[%dma_wait3A_126] : memref<3136xf32, #tpu.memory_space<vmem>> -> memref<3120xf32, #tpu.memory_space<vmem>>
      %dma_wait3A_128 = tpu.memref_slice %arg5[%add3A_12] : memref<300000xf32, #tpu.memory_space<hbm>> -> memref<3120xf32, #tpu.memory_space<hbm>>
      tpu.wait_dma2 semaphore(%run_scoped3A_118 : memref<!tpu.dma_semaphore, #tpu.memory_space<semaphore_mem>>) src(%dma_wait3A_128 : memref<3120xf32, #tpu.memory_space<hbm>>) dst(%dma_wait3A_127 : memref<3120xf32, #tpu.memory_space<vmem>>)
      tpu.yield
    }) : () -> ()
    %add3A_13 = arith.constant 200000 : i32
    %add3A_14 = arith.addi %add3A_13, %mul3A_10 : i32
    "tpu.region"() ({
      %run_scoped3A_118 = tpu.sem_alloc : memref<!tpu.dma_semaphore, #tpu.memory_space<semaphore_mem>>
      %dma_start3A = arith.constant 0 : i32
      %dma_start3A_119 = tpu.memref_slice %arg12[%dma_start3A] : memref<3136xf32, #tpu.memory_space<vmem>> -> memref<3120xf32, #tpu.memory_space<vmem>>
      %dma_start3A_120 = tpu.memref_slice %arg5[%add3A_14] : memref<300000xf32, #tpu.memory_space<hbm>> -> memref<3120xf32, #tpu.memory_space<hbm>>
      %dma_start3A_121 = arith.constant 0 : i32
      %dma_start3A_122 = tpu.memref_slice %arg12[%dma_start3A_121] : memref<3136xf32, #tpu.memory_space<vmem>> -> memref<3120xf32, #tpu.memory_space<vmem>>
      %dma_start3A_123 = tpu.memref_slice %arg5[%add3A_14] : memref<300000xf32, #tpu.memory_space<hbm>> -> memref<3120xf32, #tpu.memory_space<hbm>>
      tpu.enqueue_dma source(%dma_start3A_123 : memref<3120xf32, #tpu.memory_space<hbm>>) target(%dma_start3A_122 : memref<3120xf32, #tpu.memory_space<vmem>>) target_semaphore(%run_scoped3A_118 : memref<!tpu.dma_semaphore, #tpu.memory_space<semaphore_mem>>)
      %dma_wait3A = arith.constant 0 : i32
      %dma_wait3A_124 = tpu.memref_slice %arg12[%dma_wait3A] : memref<3136xf32, #tpu.memory_space<vmem>> -> memref<3120xf32, #tpu.memory_space<vmem>>
      %dma_wait3A_125 = tpu.memref_slice %arg5[%add3A_14] : memref<300000xf32, #tpu.memory_space<hbm>> -> memref<3120xf32, #tpu.memory_space<hbm>>
      %dma_wait3A_126 = arith.constant 0 : i32
      %dma_wait3A_127 = tpu.memref_slice %arg12[%dma_wait3A_126] : memref<3136xf32, #tpu.memory_space<vmem>> -> memref<3120xf32, #tpu.memory_space<vmem>>
      %dma_wait3A_128 = tpu.memref_slice %arg5[%add3A_14] : memref<300000xf32, #tpu.memory_space<hbm>> -> memref<3120xf32, #tpu.memory_space<hbm>>
      tpu.wait_dma2 semaphore(%run_scoped3A_118 : memref<!tpu.dma_semaphore, #tpu.memory_space<semaphore_mem>>) src(%dma_wait3A_128 : memref<3120xf32, #tpu.memory_space<hbm>>) dst(%dma_wait3A_127 : memref<3120xf32, #tpu.memory_space<vmem>>)
      tpu.yield
    }) : () -> ()
    %lt3A_15 = arith.constant 10 : i32
    %lt3A_16 = arith.cmpi slt, %add3A, %lt3A_15 : i32
    %convert_element_type3A = arith.extui %lt3A_16 : i1 to i32
    %cond3A = arith.constant 0 : i32
    %cond3A_17 = arith.cmpi ne, %convert_element_type3A, %cond3A : i32
    scf.if %cond3A_17 {
      %add3A_118 = arith.constant 3120 : i32
      %add3A_119 = arith.addi %mul3A_10, %add3A_118 : i32
      "tpu.region"() ({
        %run_scoped3A_124 = tpu.sem_alloc : memref<!tpu.dma_semaphore, #tpu.memory_space<semaphore_mem>>
        %dma_start3A = arith.constant 3120 : i32
        %dma_start3A_125 = tpu.memref_slice %arg10[%dma_start3A] : memref<3136xf32, #tpu.memory_space<vmem>> -> memref<16xf32, #tpu.memory_space<vmem>>
        %dma_start3A_126 = tpu.memref_slice %arg5[%add3A_119] : memref<300000xf32, #tpu.memory_space<hbm>> -> memref<16xf32, #tpu.memory_space<hbm>>
        %dma_start3A_127 = arith.constant 3120 : i32
        %dma_start3A_128 = tpu.memref_slice %arg10[%dma_start3A_127] : memref<3136xf32, #tpu.memory_space<vmem>> -> memref<16xf32, #tpu.memory_space<vmem>>
        %dma_start3A_129 = tpu.memref_slice %arg5[%add3A_119] : memref<300000xf32, #tpu.memory_space<hbm>> -> memref<16xf32, #tpu.memory_space<hbm>>
        tpu.enqueue_dma source(%dma_start3A_129 : memref<16xf32, #tpu.memory_space<hbm>>) target(%dma_start3A_128 : memref<16xf32, #tpu.memory_space<vmem>>) target_semaphore(%run_scoped3A_124 : memref<!tpu.dma_semaphore, #tpu.memory_space<semaphore_mem>>)
        %dma_wait3A = arith.constant 3120 : i32
        %dma_wait3A_130 = tpu.memref_slice %arg10[%dma_wait3A] : memref<3136xf32, #tpu.memory_space<vmem>> -> memref<16xf32, #tpu.memory_space<vmem>>
        %dma_wait3A_131 = tpu.memref_slice %arg5[%add3A_119] : memref<300000xf32, #tpu.memory_space<hbm>> -> memref<16xf32, #tpu.memory_space<hbm>>
        %dma_wait3A_132 = arith.constant 3120 : i32
        %dma_wait3A_133 = tpu.memref_slice %arg10[%dma_wait3A_132] : memref<3136xf32, #tpu.memory_space<vmem>> -> memref<16xf32, #tpu.memory_space<vmem>>
        %dma_wait3A_134 = tpu.memref_slice %arg5[%add3A_119] : memref<300000xf32, #tpu.memory_space<hbm>> -> memref<16xf32, #tpu.memory_space<hbm>>
        tpu.wait_dma2 semaphore(%run_scoped3A_124 : memref<!tpu.dma_semaphore, #tpu.memory_space<semaphore_mem>>) src(%dma_wait3A_134 : memref<16xf32, #tpu.memory_space<hbm>>) dst(%dma_wait3A_133 : memref<16xf32, #tpu.memory_space<vmem>>)
        tpu.yield
      }) : () -> ()
      %add3A_120 = arith.constant 100000 : i32
      %add3A_121 = arith.addi %add3A_120, %add3A_119 : i32
      "tpu.region"() ({
        %run_scoped3A_124 = tpu.sem_alloc : memref<!tpu.dma_semaphore, #tpu.memory_space<semaphore_mem>>
        %dma_start3A = arith.constant 3120 : i32
        %dma_start3A_125 = tpu.memref_slice %arg11[%dma_start3A] : memref<3136xf32, #tpu.memory_space<vmem>> -> memref<16xf32, #tpu.memory_space<vmem>>
        %dma_start3A_126 = tpu.memref_slice %arg5[%add3A_121] : memref<300000xf32, #tpu.memory_space<hbm>> -> memref<16xf32, #tpu.memory_space<hbm>>
        %dma_start3A_127 = arith.constant 3120 : i32
        %dma_start3A_128 = tpu.memref_slice %arg11[%dma_start3A_127] : memref<3136xf32, #tpu.memory_space<vmem>> -> memref<16xf32, #tpu.memory_space<vmem>>
        %dma_start3A_129 = tpu.memref_slice %arg5[%add3A_121] : memref<300000xf32, #tpu.memory_space<hbm>> -> memref<16xf32, #tpu.memory_space<hbm>>
        tpu.enqueue_dma source(%dma_start3A_129 : memref<16xf32, #tpu.memory_space<hbm>>) target(%dma_start3A_128 : memref<16xf32, #tpu.memory_space<vmem>>) target_semaphore(%run_scoped3A_124 : memref<!tpu.dma_semaphore, #tpu.memory_space<semaphore_mem>>)
        %dma_wait3A = arith.constant 3120 : i32
        %dma_wait3A_130 = tpu.memref_slice %arg11[%dma_wait3A] : memref<3136xf32, #tpu.memory_space<vmem>> -> memref<16xf32, #tpu.memory_space<vmem>>
        %dma_wait3A_131 = tpu.memref_slice %arg5[%add3A_121] : memref<300000xf32, #tpu.memory_space<hbm>> -> memref<16xf32, #tpu.memory_space<hbm>>
        %dma_wait3A_132 = arith.constant 3120 : i32
        %dma_wait3A_133 = tpu.memref_slice %arg11[%dma_wait3A_132] : memref<3136xf32, #tpu.memory_space<vmem>> -> memref<16xf32, #tpu.memory_space<vmem>>
        %dma_wait3A_134 = tpu.memref_slice %arg5[%add3A_121] : memref<300000xf32, #tpu.memory_space<hbm>> -> memref<16xf32, #tpu.memory_space<hbm>>
        tpu.wait_dma2 semaphore(%run_scoped3A_124 : memref<!tpu.dma_semaphore, #tpu.memory_space<semaphore_mem>>) src(%dma_wait3A_134 : memref<16xf32, #tpu.memory_space<hbm>>) dst(%dma_wait3A_133 : memref<16xf32, #tpu.memory_space<vmem>>)
        tpu.yield
      }) : () -> ()
      %add3A_122 = arith.constant 200000 : i32
      %add3A_123 = arith.addi %add3A_122, %add3A_119 : i32
      "tpu.region"() ({
        %run_scoped3A_124 = tpu.sem_alloc : memref<!tpu.dma_semaphore, #tpu.memory_space<semaphore_mem>>
        %dma_start3A = arith.constant 3120 : i32
        %dma_start3A_125 = tpu.memref_slice %arg12[%dma_start3A] : memref<3136xf32, #tpu.memory_space<vmem>> -> memref<16xf32, #tpu.memory_space<vmem>>
        %dma_start3A_126 = tpu.memref_slice %arg5[%add3A_123] : memref<300000xf32, #tpu.memory_space<hbm>> -> memref<16xf32, #tpu.memory_space<hbm>>
        %dma_start3A_127 = arith.constant 3120 : i32
        %dma_start3A_128 = tpu.memref_slice %arg12[%dma_start3A_127] : memref<3136xf32, #tpu.memory_space<vmem>> -> memref<16xf32, #tpu.memory_space<vmem>>
        %dma_start3A_129 = tpu.memref_slice %arg5[%add3A_123] : memref<300000xf32, #tpu.memory_space<hbm>> -> memref<16xf32, #tpu.memory_space<hbm>>
        tpu.enqueue_dma source(%dma_start3A_129 : memref<16xf32, #tpu.memory_space<hbm>>) target(%dma_start3A_128 : memref<16xf32, #tpu.memory_space<vmem>>) target_semaphore(%run_scoped3A_124 : memref<!tpu.dma_semaphore, #tpu.memory_space<semaphore_mem>>)
        %dma_wait3A = arith.constant 3120 : i32
        %dma_wait3A_130 = tpu.memref_slice %arg12[%dma_wait3A] : memref<3136xf32, #tpu.memory_space<vmem>> -> memref<16xf32, #tpu.memory_space<vmem>>
        %dma_wait3A_131 = tpu.memref_slice %arg5[%add3A_123] : memref<300000xf32, #tpu.memory_space<hbm>> -> memref<16xf32, #tpu.memory_space<hbm>>
        %dma_wait3A_132 = arith.constant 3120 : i32
        %dma_wait3A_133 = tpu.memref_slice %arg12[%dma_wait3A_132] : memref<3136xf32, #tpu.memory_space<vmem>> -> memref<16xf32, #tpu.memory_space<vmem>>
        %dma_wait3A_134 = tpu.memref_slice %arg5[%add3A_123] : memref<300000xf32, #tpu.memory_space<hbm>> -> memref<16xf32, #tpu.memory_space<hbm>>
        tpu.wait_dma2 semaphore(%run_scoped3A_124 : memref<!tpu.dma_semaphore, #tpu.memory_space<semaphore_mem>>) src(%dma_wait3A_134 : memref<16xf32, #tpu.memory_space<hbm>>) dst(%dma_wait3A_133 : memref<16xf32, #tpu.memory_space<vmem>>)
        tpu.yield
      }) : () -> ()
    } else {
    }
    %get3A = arith.constant 0 : index
    %get3A_18 = tpu.vector_load %arg7[%get3A] {strides = array<i32>} : memref<16xf32, #tpu.memory_space<vmem>>, vector<16xf32>,
    %get3A_19 = arith.constant 0 : index
    %get3A_20 = tpu.vector_load %arg8[%get3A_19] {strides = array<i32>} : memref<16xf32, #tpu.memory_space<vmem>>, vector<16xf32>,
    %sub3A = arith.subf %get3A_20, %get3A_18 : vector<16xf32>
    %slice3A = vector.extract_strided_slice %sub3A {offsets = [0], sizes = [1], strides = [1]} : vector<16xf32> to vector<1xf32>
    %squeeze3A = vector.extract %slice3A[0] : f32 from vector<1xf32>
    %broadcast_in_dim3A = vector.broadcast %squeeze3A : f32 to vector<16xf32>
    %slice3A_21 = vector.extract_strided_slice %sub3A {offsets = [1], sizes = [1], strides = [1]} : vector<16xf32> to vector<1xf32>
    %squeeze3A_22 = vector.extract %slice3A_21[0] : f32 from vector<1xf32>
    %broadcast_in_dim3A_23 = vector.broadcast %squeeze3A_22 : f32 to vector<16xf32>
    %slice3A_24 = vector.extract_strided_slice %sub3A {offsets = [2], sizes = [1], strides = [1]} : vector<16xf32> to vector<1xf32>
    %squeeze3A_25 = vector.extract %slice3A_24[0] : f32 from vector<1xf32>
    %broadcast_in_dim3A_26 = vector.broadcast %squeeze3A_25 : f32 to vector<16xf32>
    %slice3A_27 = vector.extract_strided_slice %sub3A {offsets = [3], sizes = [1], strides = [1]} : vector<16xf32> to vector<1xf32>
    %squeeze3A_28 = vector.extract %slice3A_27[0] : f32 from vector<1xf32>
    %broadcast_in_dim3A_29 = vector.broadcast %squeeze3A_28 : f32 to vector<16xf32>
    %slice3A_30 = vector.extract_strided_slice %sub3A {offsets = [4], sizes = [1], strides = [1]} : vector<16xf32> to vector<1xf32>
    %squeeze3A_31 = vector.extract %slice3A_30[0] : f32 from vector<1xf32>
    %broadcast_in_dim3A_32 = vector.broadcast %squeeze3A_31 : f32 to vector<16xf32>
    %slice3A_33 = vector.extract_strided_slice %sub3A {offsets = [5], sizes = [1], strides = [1]} : vector<16xf32> to vector<1xf32>
    %squeeze3A_34 = vector.extract %slice3A_33[0] : f32 from vector<1xf32>
    %broadcast_in_dim3A_35 = vector.broadcast %squeeze3A_34 : f32 to vector<16xf32>
    %slice3A_36 = vector.extract_strided_slice %sub3A {offsets = [6], sizes = [1], strides = [1]} : vector<16xf32> to vector<1xf32>
    %squeeze3A_37 = vector.extract %slice3A_36[0] : f32 from vector<1xf32>
    %broadcast_in_dim3A_38 = vector.broadcast %squeeze3A_37 : f32 to vector<16xf32>
    %slice3A_39 = vector.extract_strided_slice %sub3A {offsets = [7], sizes = [1], strides = [1]} : vector<16xf32> to vector<1xf32>
    %squeeze3A_40 = vector.extract %slice3A_39[0] : f32 from vector<1xf32>
    %broadcast_in_dim3A_41 = vector.broadcast %squeeze3A_40 : f32 to vector<16xf32>
    %slice3A_42 = vector.extract_strided_slice %sub3A {offsets = [8], sizes = [1], strides = [1]} : vector<16xf32> to vector<1xf32>
    %squeeze3A_43 = vector.extract %slice3A_42[0] : f32 from vector<1xf32>
    %broadcast_in_dim3A_44 = vector.broadcast %squeeze3A_43 : f32 to vector<16xf32>
    %slice3A_45 = vector.extract_strided_slice %sub3A {offsets = [9], sizes = [1], strides = [1]} : vector<16xf32> to vector<1xf32>
    %squeeze3A_46 = vector.extract %slice3A_45[0] : f32 from vector<1xf32>
    %broadcast_in_dim3A_47 = vector.broadcast %squeeze3A_46 : f32 to vector<16xf32>
    %slice3A_48 = vector.extract_strided_slice %sub3A {offsets = [10], sizes = [1], strides = [1]} : vector<16xf32> to vector<1xf32>
    %squeeze3A_49 = vector.extract %slice3A_48[0] : f32 from vector<1xf32>
    %broadcast_in_dim3A_50 = vector.broadcast %squeeze3A_49 : f32 to vector<16xf32>
    %slice3A_51 = vector.extract_strided_slice %sub3A {offsets = [11], sizes = [1], strides = [1]} : vector<16xf32> to vector<1xf32>
    %squeeze3A_52 = vector.extract %slice3A_51[0] : f32 from vector<1xf32>
    %broadcast_in_dim3A_53 = vector.broadcast %squeeze3A_52 : f32 to vector<16xf32>
    %get3A_54 = arith.constant 0 : index
    %get3A_55 = tpu.vector_load %arg9[%get3A_54] {strides = array<i32>} : memref<16xf32, #tpu.memory_space<vmem>>, vector<16xf32>,
    %sub3A_56 = arith.subf %get3A_55, %get3A_18 : vector<16xf32>
    %slice3A_57 = vector.extract_strided_slice %sub3A_56 {offsets = [0], sizes = [1], strides = [1]} : vector<16xf32> to vector<1xf32>
    %squeeze3A_58 = vector.extract %slice3A_57[0] : f32 from vector<1xf32>
    %broadcast_in_dim3A_59 = vector.broadcast %squeeze3A_58 : f32 to vector<16xf32>
    %slice3A_60 = vector.extract_strided_slice %sub3A_56 {offsets = [1], sizes = [1], strides = [1]} : vector<16xf32> to vector<1xf32>
    %squeeze3A_61 = vector.extract %slice3A_60[0] : f32 from vector<1xf32>
    %broadcast_in_dim3A_62 = vector.broadcast %squeeze3A_61 : f32 to vector<16xf32>
    %slice3A_63 = vector.extract_strided_slice %sub3A_56 {offsets = [2], sizes = [1], strides = [1]} : vector<16xf32> to vector<1xf32>
    %squeeze3A_64 = vector.extract %slice3A_63[0] : f32 from vector<1xf32>
    %broadcast_in_dim3A_65 = vector.broadcast %squeeze3A_64 : f32 to vector<16xf32>
    %slice3A_66 = vector.extract_strided_slice %sub3A_56 {offsets = [3], sizes = [1], strides = [1]} : vector<16xf32> to vector<1xf32>
    %squeeze3A_67 = vector.extract %slice3A_66[0] : f32 from vector<1xf32>
    %broadcast_in_dim3A_68 = vector.broadcast %squeeze3A_67 : f32 to vector<16xf32>
    %slice3A_69 = vector.extract_strided_slice %sub3A_56 {offsets = [4], sizes = [1], strides = [1]} : vector<16xf32> to vector<1xf32>
    %squeeze3A_70 = vector.extract %slice3A_69[0] : f32 from vector<1xf32>
    %broadcast_in_dim3A_71 = vector.broadcast %squeeze3A_70 : f32 to vector<16xf32>
    %slice3A_72 = vector.extract_strided_slice %sub3A_56 {offsets = [5], sizes = [1], strides = [1]} : vector<16xf32> to vector<1xf32>
    %squeeze3A_73 = vector.extract %slice3A_72[0] : f32 from vector<1xf32>
    %broadcast_in_dim3A_74 = vector.broadcast %squeeze3A_73 : f32 to vector<16xf32>
    %slice3A_75 = vector.extract_strided_slice %sub3A_56 {offsets = [6], sizes = [1], strides = [1]} : vector<16xf32> to vector<1xf32>
    %squeeze3A_76 = vector.extract %slice3A_75[0] : f32 from vector<1xf32>
    %broadcast_in_dim3A_77 = vector.broadcast %squeeze3A_76 : f32 to vector<16xf32>
    %slice3A_78 = vector.extract_strided_slice %sub3A_56 {offsets = [7], sizes = [1], strides = [1]} : vector<16xf32> to vector<1xf32>
    %squeeze3A_79 = vector.extract %slice3A_78[0] : f32 from vector<1xf32>
    %broadcast_in_dim3A_80 = vector.broadcast %squeeze3A_79 : f32 to vector<16xf32>
    %slice3A_81 = vector.extract_strided_slice %sub3A_56 {offsets = [8], sizes = [1], strides = [1]} : vector<16xf32> to vector<1xf32>
    %squeeze3A_82 = vector.extract %slice3A_81[0] : f32 from vector<1xf32>
    %broadcast_in_dim3A_83 = vector.broadcast %squeeze3A_82 : f32 to vector<16xf32>
    %slice3A_84 = vector.extract_strided_slice %sub3A_56 {offsets = [9], sizes = [1], strides = [1]} : vector<16xf32> to vector<1xf32>
    %squeeze3A_85 = vector.extract %slice3A_84[0] : f32 from vector<1xf32>
    %broadcast_in_dim3A_86 = vector.broadcast %squeeze3A_85 : f32 to vector<16xf32>
    %slice3A_87 = vector.extract_strided_slice %sub3A_56 {offsets = [10], sizes = [1], strides = [1]} : vector<16xf32> to vector<1xf32>
    %squeeze3A_88 = vector.extract %slice3A_87[0] : f32 from vector<1xf32>
    %broadcast_in_dim3A_89 = vector.broadcast %squeeze3A_88 : f32 to vector<16xf32>
    %slice3A_90 = vector.extract_strided_slice %sub3A_56 {offsets = [11], sizes = [1], strides = [1]} : vector<16xf32> to vector<1xf32>
    %squeeze3A_91 = vector.extract %slice3A_90[0] : f32 from vector<1xf32>
    %broadcast_in_dim3A_92 = vector.broadcast %squeeze3A_91 : f32 to vector<16xf32>
    %broadcast_in_dim3A_93 = arith.constant 5.000000e-01 : f32
    %broadcast_in_dim3A_94 = vector.broadcast %broadcast_in_dim3A_93 : f32 to vector<16xf32>
    %broadcast_in_dim3A_95 = arith.constant 1.500000e+00 : f32
    %broadcast_in_dim3A_96 = vector.broadcast %broadcast_in_dim3A_95 : f32 to vector<16xf32>
    %broadcast_in_dim3A_97 = arith.constant 1.000000e-30 : f32
    %broadcast_in_dim3A_98 = vector.broadcast %broadcast_in_dim3A_97 : f32 to vector<16xf32>
    %broadcast_in_dim3A_99 = arith.constant 1597463007 : i32
    %broadcast_in_dim3A_100 = vector.broadcast %broadcast_in_dim3A_99 : i32 to vector<16xi32>
    %broadcast_in_dim3A_101 = arith.constant 1 : i32
    %broadcast_in_dim3A_102 = vector.broadcast %broadcast_in_dim3A_101 : i32 to vector<16xi32>
    %broadcast_in_dim3A_103 = arith.constant 0.000000e+00 : f32
    %broadcast_in_dim3A_104 = vector.broadcast %broadcast_in_dim3A_103 : f32 to vector<16xf32>
    %scan3A = arith.constant 0 : i32
    %scan3A_105 = arith.constant 196 : i32
    %scan3A_106 = arith.addi %scan3A, %scan3A_105 : i32
    %scan3A_107 = arith.constant 1 : i32
    %scan3A_108:2 = scf.for %scan3A_118 = %scan3A to %scan3A_106 step %scan3A_107 iter_args(%scan3A_119 = %broadcast_in_dim3A_104, %scan3A_120 = %broadcast_in_dim3A_104) -> (vector<16xf32>, vector<16xf32>)  : i32 {
      %mul3A_121 = arith.constant 16 : i32
      %mul3A_122 = arith.muli %scan3A_118, %mul3A_121 : i32
      %get3A_123 = arith.index_cast %mul3A_122 : i32 to index
      %get3A_124 = tpu.vector_load %arg10[%get3A_123] {strides = array<i32>} : memref<3136xf32, #tpu.memory_space<vmem>>, vector<16xf32>,
      %get3A_125 = arith.index_cast %mul3A_122 : i32 to index
      %get3A_126 = tpu.vector_load %arg11[%get3A_125] {strides = array<i32>} : memref<3136xf32, #tpu.memory_space<vmem>>, vector<16xf32>,
      %get3A_127 = arith.index_cast %mul3A_122 : i32 to index
      %get3A_128 = tpu.vector_load %arg12[%get3A_127] {strides = array<i32>} : memref<3136xf32, #tpu.memory_space<vmem>>, vector<16xf32>,
      %lt3A_129 = arith.cmpi slt, %scan3A_118, %add3A_4 : i32
      %jit3A_130 = arith.constant 1.000000e+00 : f32
      %jit3A_131 = arith.constant 0.000000e+00 : f32
      %select_n3A_132 = arith.select %lt3A_129, %jit3A_130, %jit3A_131 : f32
      %broadcast_in_dim3A_133 = vector.broadcast %select_n3A_132 : f32 to vector<16xf32>
      %mul3A_134 = arith.mulf %broadcast_in_dim3A, %get3A_124 : vector<16xf32>
      %mul3A_135 = arith.mulf %broadcast_in_dim3A_23, %get3A_126 : vector<16xf32>
      %add3A_136 = arith.addf %mul3A_134, %mul3A_135 : vector<16xf32>
      %mul3A_137 = arith.mulf %broadcast_in_dim3A_26, %get3A_128 : vector<16xf32>
      %add3A_138 = arith.addf %add3A_136, %mul3A_137 : vector<16xf32>
      %add3A_139 = arith.addf %add3A_138, %broadcast_in_dim3A_29 : vector<16xf32>
      %mul3A_140 = arith.mulf %broadcast_in_dim3A_32, %get3A_124 : vector<16xf32>
      %mul3A_141 = arith.mulf %broadcast_in_dim3A_35, %get3A_126 : vector<16xf32>
      %add3A_142 = arith.addf %mul3A_140, %mul3A_141 : vector<16xf32>
      %mul3A_143 = arith.mulf %broadcast_in_dim3A_38, %get3A_128 : vector<16xf32>
      %add3A_144 = arith.addf %add3A_142, %mul3A_143 : vector<16xf32>
      %add3A_145 = arith.addf %add3A_144, %broadcast_in_dim3A_41 : vector<16xf32>
      %mul3A_146 = arith.mulf %broadcast_in_dim3A_44, %get3A_124 : vector<16xf32>
      %mul3A_147 = arith.mulf %broadcast_in_dim3A_47, %get3A_126 : vector<16xf32>
      %add3A_148 = arith.addf %mul3A_146, %mul3A_147 : vector<16xf32>
      %mul3A_149 = arith.mulf %broadcast_in_dim3A_50, %get3A_128 : vector<16xf32>
      %add3A_150 = arith.addf %add3A_148, %mul3A_149 : vector<16xf32>
      %add3A_151 = arith.addf %add3A_150, %broadcast_in_dim3A_53 : vector<16xf32>
      %mul3A_152 = arith.mulf %add3A_139, %add3A_139 : vector<16xf32>
      %mul3A_153 = arith.mulf %add3A_145, %add3A_145 : vector<16xf32>
      %add3A_154 = arith.addf %mul3A_152, %mul3A_153 : vector<16xf32>
      %mul3A_155 = arith.mulf %add3A_151, %add3A_151 : vector<16xf32>
      %add3A_156 = arith.addf %add3A_154, %mul3A_155 : vector<16xf32>
      %add3A_157 = arith.addf %add3A_156, %broadcast_in_dim3A_98 : vector<16xf32>
      %bitcast3A = vector.bitcast %add3A_157 : vector<16xf32> to vector<16xi32>
      %shift_right_logical3A = arith.shrui %bitcast3A, %broadcast_in_dim3A_102 : vector<16xi32>
      %sub3A_158 = arith.subi %broadcast_in_dim3A_100, %shift_right_logical3A : vector<16xi32>
      %bitcast3A_159 = vector.bitcast %sub3A_158 : vector<16xi32> to vector<16xf32>
      %mul3A_160 = arith.mulf %broadcast_in_dim3A_94, %add3A_157 : vector<16xf32>
      %mul3A_161 = arith.mulf %bitcast3A_159, %bitcast3A_159 : vector<16xf32>
      %mul3A_162 = arith.mulf %mul3A_160, %mul3A_161 : vector<16xf32>
      %sub3A_163 = arith.subf %broadcast_in_dim3A_96, %mul3A_162 : vector<16xf32>
      %mul3A_164 = arith.mulf %bitcast3A_159, %sub3A_163 : vector<16xf32>
      %mul3A_165 = arith.mulf %broadcast_in_dim3A_94, %add3A_157 : vector<16xf32>
      %mul3A_166 = arith.mulf %mul3A_164, %mul3A_164 : vector<16xf32>
      %mul3A_167 = arith.mulf %mul3A_165, %mul3A_166 : vector<16xf32>
      %sub3A_168 = arith.subf %broadcast_in_dim3A_96, %mul3A_167 : vector<16xf32>
      %mul3A_169 = arith.mulf %mul3A_164, %sub3A_168 : vector<16xf32>
      %mul3A_170 = arith.mulf %broadcast_in_dim3A_94, %add3A_157 : vector<16xf32>
      %mul3A_171 = arith.mulf %mul3A_169, %mul3A_169 : vector<16xf32>
      %mul3A_172 = arith.mulf %mul3A_170, %mul3A_171 : vector<16xf32>
      %sub3A_173 = arith.subf %broadcast_in_dim3A_96, %mul3A_172 : vector<16xf32>
      %mul3A_174 = arith.mulf %mul3A_169, %sub3A_173 : vector<16xf32>
      %mul3A_175 = arith.mulf %add3A_157, %mul3A_174 : vector<16xf32>
      %mul3A_176 = arith.mulf %mul3A_175, %broadcast_in_dim3A_133 : vector<16xf32>
      %add3A_177 = arith.addf %scan3A_119, %mul3A_176 : vector<16xf32>
      %mul3A_178 = arith.mulf %broadcast_in_dim3A_59, %get3A_124 : vector<16xf32>
      %mul3A_179 = arith.mulf %broadcast_in_dim3A_62, %get3A_126 : vector<16xf32>
      %add3A_180 = arith.addf %mul3A_178, %mul3A_179 : vector<16xf32>
      %mul3A_181 = arith.mulf %broadcast_in_dim3A_65, %get3A_128 : vector<16xf32>
      %add3A_182 = arith.addf %add3A_180, %mul3A_181 : vector<16xf32>
      %add3A_183 = arith.addf %add3A_182, %broadcast_in_dim3A_68 : vector<16xf32>
      %mul3A_184 = arith.mulf %broadcast_in_dim3A_71, %get3A_124 : vector<16xf32>
      %mul3A_185 = arith.mulf %broadcast_in_dim3A_74, %get3A_126 : vector<16xf32>
      %add3A_186 = arith.addf %mul3A_184, %mul3A_185 : vector<16xf32>
      %mul3A_187 = arith.mulf %broadcast_in_dim3A_77, %get3A_128 : vector<16xf32>
      %add3A_188 = arith.addf %add3A_186, %mul3A_187 : vector<16xf32>
      %add3A_189 = arith.addf %add3A_188, %broadcast_in_dim3A_80 : vector<16xf32>
      %mul3A_190 = arith.mulf %broadcast_in_dim3A_83, %get3A_124 : vector<16xf32>
      %mul3A_191 = arith.mulf %broadcast_in_dim3A_86, %get3A_126 : vector<16xf32>
      %add3A_192 = arith.addf %mul3A_190, %mul3A_191 : vector<16xf32>
      %mul3A_193 = arith.mulf %broadcast_in_dim3A_89, %get3A_128 : vector<16xf32>
      %add3A_194 = arith.addf %add3A_192, %mul3A_193 : vector<16xf32>
      %add3A_195 = arith.addf %add3A_194, %broadcast_in_dim3A_92 : vector<16xf32>
      %mul3A_196 = arith.mulf %add3A_183, %add3A_183 : vector<16xf32>
      %mul3A_197 = arith.mulf %add3A_189, %add3A_189 : vector<16xf32>
      %add3A_198 = arith.addf %mul3A_196, %mul3A_197 : vector<16xf32>
      %mul3A_199 = arith.mulf %add3A_195, %add3A_195 : vector<16xf32>
      %add3A_200 = arith.addf %add3A_198, %mul3A_199 : vector<16xf32>
      %add3A_201 = arith.addf %add3A_200, %broadcast_in_dim3A_98 : vector<16xf32>
      %bitcast3A_202 = vector.bitcast %add3A_201 : vector<16xf32> to vector<16xi32>
      %shift_right_logical3A_203 = arith.shrui %bitcast3A_202, %broadcast_in_dim3A_102 : vector<16xi32>
      %sub3A_204 = arith.subi %broadcast_in_dim3A_100, %shift_right_logical3A_203 : vector<16xi32>
      %bitcast3A_205 = vector.bitcast %sub3A_204 : vector<16xi32> to vector<16xf32>
      %mul3A_206 = arith.mulf %broadcast_in_dim3A_94, %add3A_201 : vector<16xf32>
      %mul3A_207 = arith.mulf %bitcast3A_205, %bitcast3A_205 : vector<16xf32>
      %mul3A_208 = arith.mulf %mul3A_206, %mul3A_207 : vector<16xf32>
      %sub3A_209 = arith.subf %broadcast_in_dim3A_96, %mul3A_208 : vector<16xf32>
      %mul3A_210 = arith.mulf %bitcast3A_205, %sub3A_209 : vector<16xf32>
      %mul3A_211 = arith.mulf %broadcast_in_dim3A_94, %add3A_201 : vector<16xf32>
      %mul3A_212 = arith.mulf %mul3A_210, %mul3A_210 : vector<16xf32>
      %mul3A_213 = arith.mulf %mul3A_211, %mul3A_212 : vector<16xf32>
      %sub3A_214 = arith.subf %broadcast_in_dim3A_96, %mul3A_213 : vector<16xf32>
      %mul3A_215 = arith.mulf %mul3A_210, %sub3A_214 : vector<16xf32>
      %mul3A_216 = arith.mulf %broadcast_in_dim3A_94, %add3A_201 : vector<16xf32>
      %mul3A_217 = arith.mulf %mul3A_215, %mul3A_215 : vector<16xf32>
      %mul3A_218 = arith.mulf %mul3A_216, %mul3A_217 : vector<16xf32>
      %sub3A_219 = arith.subf %broadcast_in_dim3A_96, %mul3A_218 : vector<16xf32>
      %mul3A_220 = arith.mulf %mul3A_215, %sub3A_219 : vector<16xf32>
      %mul3A_221 = arith.mulf %add3A_201, %mul3A_220 : vector<16xf32>
      %mul3A_222 = arith.mulf %mul3A_221, %broadcast_in_dim3A_133 : vector<16xf32>
      %add3A_223 = arith.addf %scan3A_120, %mul3A_222 : vector<16xf32>
      scf.yield %add3A_177, %add3A_223 : vector<16xf32>, vector<16xf32>
    }
    %scan3A_109 = arith.constant 196 : i32
    %swap3A = arith.constant 0 : index
    %swap3A_110 = tpu.vector_load %arg13[%swap3A] {strides = array<i32>} : memref<16xf32, #tpu.memory_space<vmem>>, vector<16xf32>,
    tpu.vector_store %arg13[%swap3A], %scan3A_108#0 {strides = array<i32>} : memref<16xf32, #tpu.memory_space<vmem>>, vector<16xf32>,
    %swap3A_111 = arith.constant 0 : index
    %swap3A_112 = tpu.vector_load %arg14[%swap3A_111] {strides = array<i32>} : memref<16xf32, #tpu.memory_space<vmem>>, vector<16xf32>,
    tpu.vector_store %arg14[%swap3A_111], %scan3A_108#1 {strides = array<i32>} : memref<16xf32, #tpu.memory_space<vmem>>, vector<16xf32>,
    %mul3A_113 = arith.constant 16 : i32
    %mul3A_114 = arith.muli %add3A, %mul3A_113 : i32
    %run_scoped3A = arith.constant 0 : i32
    "tpu.region"() ({
      %run_scoped3A_118 = tpu.sem_alloc : memref<!tpu.dma_semaphore, #tpu.memory_space<semaphore_mem>>
      %dma_start3A = tpu.memref_slice %arg6[%run_scoped3A, %mul3A_114] : memref<2x512xf32, #tpu.memory_space<hbm>> -> memref<1x16xf32, #tpu.memory_space<hbm>>
      %dma_start3A_119 = tpu.memref_squeeze %dma_start3A : memref<1x16xf32, #tpu.memory_space<hbm>> -> memref<16xf32, #tpu.memory_space<hbm>>
      %dma_start3A_120 = tpu.memref_slice %arg6[%run_scoped3A, %mul3A_114] : memref<2x512xf32, #tpu.memory_space<hbm>> -> memref<1x16xf32, #tpu.memory_space<hbm>>
      %dma_start3A_121 = tpu.memref_squeeze %dma_start3A_120 : memref<1x16xf32, #tpu.memory_space<hbm>> -> memref<16xf32, #tpu.memory_space<hbm>>
      tpu.enqueue_dma source(%arg13 : memref<16xf32, #tpu.memory_space<vmem>>) target(%dma_start3A_121 : memref<16xf32, #tpu.memory_space<hbm>>) target_semaphore(%run_scoped3A_118 : memref<!tpu.dma_semaphore, #tpu.memory_space<semaphore_mem>>)
      %dma_wait3A = tpu.memref_slice %arg6[%run_scoped3A, %mul3A_114] : memref<2x512xf32, #tpu.memory_space<hbm>> -> memref<1x16xf32, #tpu.memory_space<hbm>>
      %dma_wait3A_122 = tpu.memref_squeeze %dma_wait3A : memref<1x16xf32, #tpu.memory_space<hbm>> -> memref<16xf32, #tpu.memory_space<hbm>>
      %dma_wait3A_123 = tpu.memref_slice %arg6[%run_scoped3A, %mul3A_114] : memref<2x512xf32, #tpu.memory_space<hbm>> -> memref<1x16xf32, #tpu.memory_space<hbm>>
      %dma_wait3A_124 = tpu.memref_squeeze %dma_wait3A_123 : memref<1x16xf32, #tpu.memory_space<hbm>> -> memref<16xf32, #tpu.memory_space<hbm>>
      tpu.wait_dma2 semaphore(%run_scoped3A_118 : memref<!tpu.dma_semaphore, #tpu.memory_space<semaphore_mem>>) src(%arg13 : memref<16xf32, #tpu.memory_space<vmem>>) dst(%dma_wait3A_124 : memref<16xf32, #tpu.memory_space<hbm>>)
      tpu.yield
    }) : () -> ()
    %mul3A_115 = arith.constant 16 : i32
    %mul3A_116 = arith.muli %add3A, %mul3A_115 : i32
    %run_scoped3A_117 = arith.constant 1 : i32
    "tpu.region"() ({
      %run_scoped3A_118 = tpu.sem_alloc : memref<!tpu.dma_semaphore, #tpu.memory_space<semaphore_mem>>
      %dma_start3A = tpu.memref_slice %arg6[%run_scoped3A_117, %mul3A_116] : memref<2x512xf32, #tpu.memory_space<hbm>> -> memref<1x16xf32, #tpu.memory_space<hbm>>
      %dma_start3A_119 = tpu.memref_squeeze %dma_start3A : memref<1x16xf32, #tpu.memory_space<hbm>> -> memref<16xf32, #tpu.memory_space<hbm>>
      %dma_start3A_120 = tpu.memref_slice %arg6[%run_scoped3A_117, %mul3A_116] : memref<2x512xf32, #tpu.memory_space<hbm>> -> memref<1x16xf32, #tpu.memory_space<hbm>>
      %dma_start3A_121 = tpu.memref_squeeze %dma_start3A_120 : memref<1x16xf32, #tpu.memory_space<hbm>> -> memref<16xf32, #tpu.memory_space<hbm>>
      tpu.enqueue_dma source(%arg14 : memref<16xf32, #tpu.memory_space<vmem>>) target(%dma_start3A_121 : memref<16xf32, #tpu.memory_space<hbm>>) target_semaphore(%run_scoped3A_118 : memref<!tpu.dma_semaphore, #tpu.memory_space<semaphore_mem>>)
      %dma_wait3A = tpu.memref_slice %arg6[%run_scoped3A_117, %mul3A_116] : memref<2x512xf32, #tpu.memory_space<hbm>> -> memref<1x16xf32, #tpu.memory_space<hbm>>
      %dma_wait3A_122 = tpu.memref_squeeze %dma_wait3A : memref<1x16xf32, #tpu.memory_space<hbm>> -> memref<16xf32, #tpu.memory_space<hbm>>
      %dma_wait3A_123 = tpu.memref_slice %arg6[%run_scoped3A_117, %mul3A_116] : memref<2x512xf32, #tpu.memory_space<hbm>> -> memref<1x16xf32, #tpu.memory_space<hbm>>
      %dma_wait3A_124 = tpu.memref_squeeze %dma_wait3A_123 : memref<1x16xf32, #tpu.memory_space<hbm>> -> memref<16xf32, #tpu.memory_space<hbm>>
      tpu.wait_dma2 semaphore(%run_scoped3A_118 : memref<!tpu.dma_semaphore, #tpu.memory_space<semaphore_mem>>) src(%arg14 : memref<16xf32, #tpu.memory_space<vmem>>) dst(%dma_wait3A_124 : memref<16xf32, #tpu.memory_space<hbm>>)
      tpu.yield
    }) : () -> ()
    return
  }
}

module attributes {stable_mosaic.version = 14 : i64} {
  func.func @_fin_body(%arg0: memref<4x4xf32, #tpu.memory_space<smem>>, %arg1: memref<4x4xf32, #tpu.memory_space<smem>>, %arg2: memref<4x4xf32, #tpu.memory_space<smem>>, %arg3: memref<1xf32, #tpu.memory_space<smem>>, %arg4: memref<2x512xf32, #tpu.memory_space<vmem>>, %arg5: memref<9xf32, #tpu.memory_space<smem>>) attributes {dimension_semantics = [], scalar_prefetch = 0 : i64, scratch_operands = 0 : i64, tpu.core_type = #tpu.core_type<tc>} {
    %get3A = arith.constant 0 : index
    %get3A_0 = arith.constant 0 : index
    %get3A_1 = vector.load %arg4[%get3A, %get3A_0] : memref<2x512xf32, #tpu.memory_space<vmem>>, vector<2x512xf32>
    %reduce_sum3A = arith.constant dense<0.000000e+00> : vector<2xf32>
    %reduce_sum3A_2 = vector.multi_reduction <add>, %get3A_1, %reduce_sum3A [1] : vector<2x512xf32> to vector<2xf32>
    %slice3A = vector.extract_strided_slice %reduce_sum3A_2 {offsets = [0], sizes = [1], strides = [1]} : vector<2xf32> to vector<1xf32>
    %squeeze3A = vector.extract %slice3A[0] : f32 from vector<1xf32>
    %mul3A = arith.constant 9.99999974E-6 : f32
    %mul3A_3 = arith.mulf %squeeze3A, %mul3A : f32
    %slice3A_4 = vector.extract_strided_slice %reduce_sum3A_2 {offsets = [1], sizes = [1], strides = [1]} : vector<2xf32> to vector<1xf32>
    %squeeze3A_5 = vector.extract %slice3A_4[0] : f32 from vector<1xf32>
    %mul3A_6 = arith.constant 9.99999974E-6 : f32
    %mul3A_7 = arith.mulf %squeeze3A_5, %mul3A_6 : f32
    %get3A_8 = arith.constant 0 : index
    %get3A_9 = arith.constant 0 : index
    %get3A_10 = memref.load %arg1[%get3A_8, %get3A_9] : memref<4x4xf32, #tpu.memory_space<smem>>
    %get3A_11 = arith.constant 0 : index
    %get3A_12 = arith.constant 0 : index
    %get3A_13 = memref.load %arg0[%get3A_11, %get3A_12] : memref<4x4xf32, #tpu.memory_space<smem>>
    %mul3A_14 = arith.mulf %get3A_10, %get3A_13 : f32
    %add3A = arith.constant 0.000000e+00 : f32
    %add3A_15 = arith.addf %add3A, %mul3A_14 : f32
    %get3A_16 = arith.constant 0 : index
    %get3A_17 = arith.constant 1 : index
    %get3A_18 = memref.load %arg1[%get3A_16, %get3A_17] : memref<4x4xf32, #tpu.memory_space<smem>>
    %get3A_19 = arith.constant 0 : index
    %get3A_20 = arith.constant 1 : index
    %get3A_21 = memref.load %arg0[%get3A_19, %get3A_20] : memref<4x4xf32, #tpu.memory_space<smem>>
    %mul3A_22 = arith.mulf %get3A_18, %get3A_21 : f32
    %add3A_23 = arith.addf %add3A_15, %mul3A_22 : f32
    %get3A_24 = arith.constant 0 : index
    %get3A_25 = arith.constant 2 : index
    %get3A_26 = memref.load %arg1[%get3A_24, %get3A_25] : memref<4x4xf32, #tpu.memory_space<smem>>
    %get3A_27 = arith.constant 0 : index
    %get3A_28 = arith.constant 2 : index
    %get3A_29 = memref.load %arg0[%get3A_27, %get3A_28] : memref<4x4xf32, #tpu.memory_space<smem>>
    %mul3A_30 = arith.mulf %get3A_26, %get3A_29 : f32
    %add3A_31 = arith.addf %add3A_23, %mul3A_30 : f32
    %get3A_32 = arith.constant 1 : index
    %get3A_33 = arith.constant 0 : index
    %get3A_34 = memref.load %arg1[%get3A_32, %get3A_33] : memref<4x4xf32, #tpu.memory_space<smem>>
    %get3A_35 = arith.constant 1 : index
    %get3A_36 = arith.constant 0 : index
    %get3A_37 = memref.load %arg0[%get3A_35, %get3A_36] : memref<4x4xf32, #tpu.memory_space<smem>>
    %mul3A_38 = arith.mulf %get3A_34, %get3A_37 : f32
    %add3A_39 = arith.addf %add3A_31, %mul3A_38 : f32
    %get3A_40 = arith.constant 1 : index
    %get3A_41 = arith.constant 1 : index
    %get3A_42 = memref.load %arg1[%get3A_40, %get3A_41] : memref<4x4xf32, #tpu.memory_space<smem>>
    %get3A_43 = arith.constant 1 : index
    %get3A_44 = arith.constant 1 : index
    %get3A_45 = memref.load %arg0[%get3A_43, %get3A_44] : memref<4x4xf32, #tpu.memory_space<smem>>
    %mul3A_46 = arith.mulf %get3A_42, %get3A_45 : f32
    %add3A_47 = arith.addf %add3A_39, %mul3A_46 : f32
    %get3A_48 = arith.constant 1 : index
    %get3A_49 = arith.constant 2 : index
    %get3A_50 = memref.load %arg1[%get3A_48, %get3A_49] : memref<4x4xf32, #tpu.memory_space<smem>>
    %get3A_51 = arith.constant 1 : index
    %get3A_52 = arith.constant 2 : index
    %get3A_53 = memref.load %arg0[%get3A_51, %get3A_52] : memref<4x4xf32, #tpu.memory_space<smem>>
    %mul3A_54 = arith.mulf %get3A_50, %get3A_53 : f32
    %add3A_55 = arith.addf %add3A_47, %mul3A_54 : f32
    %get3A_56 = arith.constant 2 : index
    %get3A_57 = arith.constant 0 : index
    %get3A_58 = memref.load %arg1[%get3A_56, %get3A_57] : memref<4x4xf32, #tpu.memory_space<smem>>
    %get3A_59 = arith.constant 2 : index
    %get3A_60 = arith.constant 0 : index
    %get3A_61 = memref.load %arg0[%get3A_59, %get3A_60] : memref<4x4xf32, #tpu.memory_space<smem>>
    %mul3A_62 = arith.mulf %get3A_58, %get3A_61 : f32
    %add3A_63 = arith.addf %add3A_55, %mul3A_62 : f32
    %get3A_64 = arith.constant 2 : index
    %get3A_65 = arith.constant 1 : index
    %get3A_66 = memref.load %arg1[%get3A_64, %get3A_65] : memref<4x4xf32, #tpu.memory_space<smem>>
    %get3A_67 = arith.constant 2 : index
    %get3A_68 = arith.constant 1 : index
    %get3A_69 = memref.load %arg0[%get3A_67, %get3A_68] : memref<4x4xf32, #tpu.memory_space<smem>>
    %mul3A_70 = arith.mulf %get3A_66, %get3A_69 : f32
    %add3A_71 = arith.addf %add3A_63, %mul3A_70 : f32
    %get3A_72 = arith.constant 2 : index
    %get3A_73 = arith.constant 2 : index
    %get3A_74 = memref.load %arg1[%get3A_72, %get3A_73] : memref<4x4xf32, #tpu.memory_space<smem>>
    %get3A_75 = arith.constant 2 : index
    %get3A_76 = arith.constant 2 : index
    %get3A_77 = memref.load %arg0[%get3A_75, %get3A_76] : memref<4x4xf32, #tpu.memory_space<smem>>
    %mul3A_78 = arith.mulf %get3A_74, %get3A_77 : f32
    %add3A_79 = arith.addf %add3A_71, %mul3A_78 : f32
    %sub3A = arith.constant 1.000000e+00 : f32
    %sub3A_80 = arith.subf %add3A_79, %sub3A : f32
    %mul3A_81 = arith.constant 5.000000e-01 : f32
    %mul3A_82 = arith.mulf %mul3A_81, %sub3A_80 : f32
    %jit3A = arith.constant -1.000000e+00 : f32
    %jit3A_83 = arith.constant 1.000000e+00 : f32
    %max3A = arith.maximumf %jit3A, %mul3A_82 : f32
    %min3A = arith.minimumf %jit3A_83, %max3A : f32
    %abs3A = math.absf %min3A : f32
    %mul3A_84 = arith.constant -0.0012624911 : f32
    %mul3A_85 = arith.mulf %mul3A_84, %abs3A : f32
    %add3A_86 = arith.constant 6.670090e-03 : f32
    %add3A_87 = arith.addf %mul3A_85, %add3A_86 : f32
    %mul3A_88 = arith.mulf %add3A_87, %abs3A : f32
    %add3A_89 = arith.constant -0.0170881264 : f32
    %add3A_90 = arith.addf %mul3A_88, %add3A_89 : f32
    %mul3A_91 = arith.mulf %add3A_90, %abs3A : f32
    %add3A_92 = arith.constant 0.0308918804 : f32
    %add3A_93 = arith.addf %mul3A_91, %add3A_92 : f32
    %mul3A_94 = arith.mulf %add3A_93, %abs3A : f32
    %add3A_95 = arith.constant -0.0501743034 : f32
    %add3A_96 = arith.addf %mul3A_94, %add3A_95 : f32
    %mul3A_97 = arith.mulf %add3A_96, %abs3A : f32
    %add3A_98 = arith.constant 0.0889789909 : f32
    %add3A_99 = arith.addf %mul3A_97, %add3A_98 : f32
    %mul3A_100 = arith.mulf %add3A_99, %abs3A : f32
    %add3A_101 = arith.constant -0.214598805 : f32
    %add3A_102 = arith.addf %mul3A_100, %add3A_101 : f32
    %mul3A_103 = arith.mulf %add3A_102, %abs3A : f32
    %add3A_104 = arith.constant 1.57079625 : f32
    %add3A_105 = arith.addf %mul3A_103, %add3A_104 : f32
    %sub3A_106 = arith.constant 1.000000e+00 : f32
    %sub3A_107 = arith.subf %sub3A_106, %abs3A : f32
    %max3A_108 = arith.constant 0.000000e+00 : f32
    %max3A_109 = arith.maximumf %sub3A_107, %max3A_108 : f32
    %sqrt3A = math.sqrt %max3A_109 : f32
    %mul3A_110 = arith.mulf %sqrt3A, %add3A_105 : f32
    %ge3A = arith.constant 0.000000e+00 : f32
    %ge3A_111 = arith.cmpf oge, %min3A, %ge3A : f32
    %sub3A_112 = arith.constant 3.14159274 : f32
    %sub3A_113 = arith.subf %sub3A_112, %mul3A_110 : f32
    %select_n3A = arith.select %ge3A_111, %mul3A_110, %sub3A_113 : f32
    %mul3A_114 = arith.constant 57.2957802 : f32
    %mul3A_115 = arith.mulf %select_n3A, %mul3A_114 : f32
    %get3A_116 = arith.constant 0 : index
    %get3A_117 = arith.constant 3 : index
    %get3A_118 = memref.load %arg0[%get3A_116, %get3A_117] : memref<4x4xf32, #tpu.memory_space<smem>>
    %get3A_119 = arith.constant 0 : index
    %get3A_120 = arith.constant 3 : index
    %get3A_121 = memref.load %arg1[%get3A_119, %get3A_120] : memref<4x4xf32, #tpu.memory_space<smem>>
    %sub3A_122 = arith.subf %get3A_118, %get3A_121 : f32
    %mul3A_123 = arith.mulf %sub3A_122, %sub3A_122 : f32
    %add3A_124 = arith.constant 0.000000e+00 : f32
    %add3A_125 = arith.addf %add3A_124, %mul3A_123 : f32
    %get3A_126 = arith.constant 1 : index
    %get3A_127 = arith.constant 3 : index
    %get3A_128 = memref.load %arg0[%get3A_126, %get3A_127] : memref<4x4xf32, #tpu.memory_space<smem>>
    %get3A_129 = arith.constant 1 : index
    %get3A_130 = arith.constant 3 : index
    %get3A_131 = memref.load %arg1[%get3A_129, %get3A_130] : memref<4x4xf32, #tpu.memory_space<smem>>
    %sub3A_132 = arith.subf %get3A_128, %get3A_131 : f32
    %mul3A_133 = arith.mulf %sub3A_132, %sub3A_132 : f32
    %add3A_134 = arith.addf %add3A_125, %mul3A_133 : f32
    %get3A_135 = arith.constant 2 : index
    %get3A_136 = arith.constant 3 : index
    %get3A_137 = memref.load %arg0[%get3A_135, %get3A_136] : memref<4x4xf32, #tpu.memory_space<smem>>
    %get3A_138 = arith.constant 2 : index
    %get3A_139 = arith.constant 3 : index
    %get3A_140 = memref.load %arg1[%get3A_138, %get3A_139] : memref<4x4xf32, #tpu.memory_space<smem>>
    %sub3A_141 = arith.subf %get3A_137, %get3A_140 : f32
    %mul3A_142 = arith.mulf %sub3A_141, %sub3A_141 : f32
    %add3A_143 = arith.addf %add3A_134, %mul3A_142 : f32
    %sqrt3A_144 = math.sqrt %add3A_143 : f32
    %lt3A = arith.constant 1.500000e+01 : f32
    %lt3A_145 = arith.cmpf olt, %mul3A_115, %lt3A : f32
    %lt3A_146 = arith.constant 3.000000e-01 : f32
    %lt3A_147 = arith.cmpf olt, %sqrt3A_144, %lt3A_146 : f32
    %and3A = arith.andi %lt3A_145, %lt3A_147 : i1
    %jit3A_148 = arith.constant 1.000000e+00 : f32
    %jit3A_149 = arith.constant 0.000000e+00 : f32
    %select_n3A_150 = arith.select %and3A, %jit3A_148, %jit3A_149 : f32
    %get3A_151 = arith.constant 0 : index
    %get3A_152 = arith.constant 0 : index
    %get3A_153 = memref.load %arg2[%get3A_151, %get3A_152] : memref<4x4xf32, #tpu.memory_space<smem>>
    %get3A_154 = arith.constant 0 : index
    %get3A_155 = arith.constant 0 : index
    %get3A_156 = memref.load %arg0[%get3A_154, %get3A_155] : memref<4x4xf32, #tpu.memory_space<smem>>
    %mul3A_157 = arith.mulf %get3A_153, %get3A_156 : f32
    %add3A_158 = arith.constant 0.000000e+00 : f32
    %add3A_159 = arith.addf %add3A_158, %mul3A_157 : f32
    %get3A_160 = arith.constant 0 : index
    %get3A_161 = arith.constant 1 : index
    %get3A_162 = memref.load %arg2[%get3A_160, %get3A_161] : memref<4x4xf32, #tpu.memory_space<smem>>
    %get3A_163 = arith.constant 0 : index
    %get3A_164 = arith.constant 1 : index
    %get3A_165 = memref.load %arg0[%get3A_163, %get3A_164] : memref<4x4xf32, #tpu.memory_space<smem>>
    %mul3A_166 = arith.mulf %get3A_162, %get3A_165 : f32
    %add3A_167 = arith.addf %add3A_159, %mul3A_166 : f32
    %get3A_168 = arith.constant 0 : index
    %get3A_169 = arith.constant 2 : index
    %get3A_170 = memref.load %arg2[%get3A_168, %get3A_169] : memref<4x4xf32, #tpu.memory_space<smem>>
    %get3A_171 = arith.constant 0 : index
    %get3A_172 = arith.constant 2 : index
    %get3A_173 = memref.load %arg0[%get3A_171, %get3A_172] : memref<4x4xf32, #tpu.memory_space<smem>>
    %mul3A_174 = arith.mulf %get3A_170, %get3A_173 : f32
    %add3A_175 = arith.addf %add3A_167, %mul3A_174 : f32
    %get3A_176 = arith.constant 1 : index
    %get3A_177 = arith.constant 0 : index
    %get3A_178 = memref.load %arg2[%get3A_176, %get3A_177] : memref<4x4xf32, #tpu.memory_space<smem>>
    %get3A_179 = arith.constant 1 : index
    %get3A_180 = arith.constant 0 : index
    %get3A_181 = memref.load %arg0[%get3A_179, %get3A_180] : memref<4x4xf32, #tpu.memory_space<smem>>
    %mul3A_182 = arith.mulf %get3A_178, %get3A_181 : f32
    %add3A_183 = arith.addf %add3A_175, %mul3A_182 : f32
    %get3A_184 = arith.constant 1 : index
    %get3A_185 = arith.constant 1 : index
    %get3A_186 = memref.load %arg2[%get3A_184, %get3A_185] : memref<4x4xf32, #tpu.memory_space<smem>>
    %get3A_187 = arith.constant 1 : index
    %get3A_188 = arith.constant 1 : index
    %get3A_189 = memref.load %arg0[%get3A_187, %get3A_188] : memref<4x4xf32, #tpu.memory_space<smem>>
    %mul3A_190 = arith.mulf %get3A_186, %get3A_189 : f32
    %add3A_191 = arith.addf %add3A_183, %mul3A_190 : f32
    %get3A_192 = arith.constant 1 : index
    %get3A_193 = arith.constant 2 : index
    %get3A_194 = memref.load %arg2[%get3A_192, %get3A_193] : memref<4x4xf32, #tpu.memory_space<smem>>
    %get3A_195 = arith.constant 1 : index
    %get3A_196 = arith.constant 2 : index
    %get3A_197 = memref.load %arg0[%get3A_195, %get3A_196] : memref<4x4xf32, #tpu.memory_space<smem>>
    %mul3A_198 = arith.mulf %get3A_194, %get3A_197 : f32
    %add3A_199 = arith.addf %add3A_191, %mul3A_198 : f32
    %get3A_200 = arith.constant 2 : index
    %get3A_201 = arith.constant 0 : index
    %get3A_202 = memref.load %arg2[%get3A_200, %get3A_201] : memref<4x4xf32, #tpu.memory_space<smem>>
    %get3A_203 = arith.constant 2 : index
    %get3A_204 = arith.constant 0 : index
    %get3A_205 = memref.load %arg0[%get3A_203, %get3A_204] : memref<4x4xf32, #tpu.memory_space<smem>>
    %mul3A_206 = arith.mulf %get3A_202, %get3A_205 : f32
    %add3A_207 = arith.addf %add3A_199, %mul3A_206 : f32
    %get3A_208 = arith.constant 2 : index
    %get3A_209 = arith.constant 1 : index
    %get3A_210 = memref.load %arg2[%get3A_208, %get3A_209] : memref<4x4xf32, #tpu.memory_space<smem>>
    %get3A_211 = arith.constant 2 : index
    %get3A_212 = arith.constant 1 : index
    %get3A_213 = memref.load %arg0[%get3A_211, %get3A_212] : memref<4x4xf32, #tpu.memory_space<smem>>
    %mul3A_214 = arith.mulf %get3A_210, %get3A_213 : f32
    %add3A_215 = arith.addf %add3A_207, %mul3A_214 : f32
    %get3A_216 = arith.constant 2 : index
    %get3A_217 = arith.constant 2 : index
    %get3A_218 = memref.load %arg2[%get3A_216, %get3A_217] : memref<4x4xf32, #tpu.memory_space<smem>>
    %get3A_219 = arith.constant 2 : index
    %get3A_220 = arith.constant 2 : index
    %get3A_221 = memref.load %arg0[%get3A_219, %get3A_220] : memref<4x4xf32, #tpu.memory_space<smem>>
    %mul3A_222 = arith.mulf %get3A_218, %get3A_221 : f32
    %add3A_223 = arith.addf %add3A_215, %mul3A_222 : f32
    %sub3A_224 = arith.constant 1.000000e+00 : f32
    %sub3A_225 = arith.subf %add3A_223, %sub3A_224 : f32
    %mul3A_226 = arith.constant 5.000000e-01 : f32
    %mul3A_227 = arith.mulf %mul3A_226, %sub3A_225 : f32
    %jit3A_228 = arith.constant -1.000000e+00 : f32
    %jit3A_229 = arith.constant 1.000000e+00 : f32
    %max3A_230 = arith.maximumf %jit3A_228, %mul3A_227 : f32
    %min3A_231 = arith.minimumf %jit3A_229, %max3A_230 : f32
    %abs3A_232 = math.absf %min3A_231 : f32
    %mul3A_233 = arith.constant -0.0012624911 : f32
    %mul3A_234 = arith.mulf %mul3A_233, %abs3A_232 : f32
    %add3A_235 = arith.constant 6.670090e-03 : f32
    %add3A_236 = arith.addf %mul3A_234, %add3A_235 : f32
    %mul3A_237 = arith.mulf %add3A_236, %abs3A_232 : f32
    %add3A_238 = arith.constant -0.0170881264 : f32
    %add3A_239 = arith.addf %mul3A_237, %add3A_238 : f32
    %mul3A_240 = arith.mulf %add3A_239, %abs3A_232 : f32
    %add3A_241 = arith.constant 0.0308918804 : f32
    %add3A_242 = arith.addf %mul3A_240, %add3A_241 : f32
    %mul3A_243 = arith.mulf %add3A_242, %abs3A_232 : f32
    %add3A_244 = arith.constant -0.0501743034 : f32
    %add3A_245 = arith.addf %mul3A_243, %add3A_244 : f32
    %mul3A_246 = arith.mulf %add3A_245, %abs3A_232 : f32
    %add3A_247 = arith.constant 0.0889789909 : f32
    %add3A_248 = arith.addf %mul3A_246, %add3A_247 : f32
    %mul3A_249 = arith.mulf %add3A_248, %abs3A_232 : f32
    %add3A_250 = arith.constant -0.214598805 : f32
    %add3A_251 = arith.addf %mul3A_249, %add3A_250 : f32
    %mul3A_252 = arith.mulf %add3A_251, %abs3A_232 : f32
    %add3A_253 = arith.constant 1.57079625 : f32
    %add3A_254 = arith.addf %mul3A_252, %add3A_253 : f32
    %sub3A_255 = arith.constant 1.000000e+00 : f32
    %sub3A_256 = arith.subf %sub3A_255, %abs3A_232 : f32
    %max3A_257 = arith.constant 0.000000e+00 : f32
    %max3A_258 = arith.maximumf %sub3A_256, %max3A_257 : f32
    %sqrt3A_259 = math.sqrt %max3A_258 : f32
    %mul3A_260 = arith.mulf %sqrt3A_259, %add3A_254 : f32
    %ge3A_261 = arith.constant 0.000000e+00 : f32
    %ge3A_262 = arith.cmpf oge, %min3A_231, %ge3A_261 : f32
    %sub3A_263 = arith.constant 3.14159274 : f32
    %sub3A_264 = arith.subf %sub3A_263, %mul3A_260 : f32
    %select_n3A_265 = arith.select %ge3A_262, %mul3A_260, %sub3A_264 : f32
    %mul3A_266 = arith.constant 57.2957802 : f32
    %mul3A_267 = arith.mulf %select_n3A_265, %mul3A_266 : f32
    %get3A_268 = arith.constant 0 : index
    %get3A_269 = arith.constant 3 : index
    %get3A_270 = memref.load %arg0[%get3A_268, %get3A_269] : memref<4x4xf32, #tpu.memory_space<smem>>
    %get3A_271 = arith.constant 0 : index
    %get3A_272 = arith.constant 3 : index
    %get3A_273 = memref.load %arg2[%get3A_271, %get3A_272] : memref<4x4xf32, #tpu.memory_space<smem>>
    %sub3A_274 = arith.subf %get3A_270, %get3A_273 : f32
    %mul3A_275 = arith.mulf %sub3A_274, %sub3A_274 : f32
    %add3A_276 = arith.constant 0.000000e+00 : f32
    %add3A_277 = arith.addf %add3A_276, %mul3A_275 : f32
    %get3A_278 = arith.constant 1 : index
    %get3A_279 = arith.constant 3 : index
    %get3A_280 = memref.load %arg0[%get3A_278, %get3A_279] : memref<4x4xf32, #tpu.memory_space<smem>>
    %get3A_281 = arith.constant 1 : index
    %get3A_282 = arith.constant 3 : index
    %get3A_283 = memref.load %arg2[%get3A_281, %get3A_282] : memref<4x4xf32, #tpu.memory_space<smem>>
    %sub3A_284 = arith.subf %get3A_280, %get3A_283 : f32
    %mul3A_285 = arith.mulf %sub3A_284, %sub3A_284 : f32
    %add3A_286 = arith.addf %add3A_277, %mul3A_285 : f32
    %get3A_287 = arith.constant 2 : index
    %get3A_288 = arith.constant 3 : index
    %get3A_289 = memref.load %arg0[%get3A_287, %get3A_288] : memref<4x4xf32, #tpu.memory_space<smem>>
    %get3A_290 = arith.constant 2 : index
    %get3A_291 = arith.constant 3 : index
    %get3A_292 = memref.load %arg2[%get3A_290, %get3A_291] : memref<4x4xf32, #tpu.memory_space<smem>>
    %sub3A_293 = arith.subf %get3A_289, %get3A_292 : f32
    %mul3A_294 = arith.mulf %sub3A_293, %sub3A_293 : f32
    %add3A_295 = arith.addf %add3A_286, %mul3A_294 : f32
    %sqrt3A_296 = math.sqrt %add3A_295 : f32
    %lt3A_297 = arith.constant 1.500000e+01 : f32
    %lt3A_298 = arith.cmpf olt, %mul3A_267, %lt3A_297 : f32
    %lt3A_299 = arith.constant 3.000000e-01 : f32
    %lt3A_300 = arith.cmpf olt, %sqrt3A_296, %lt3A_299 : f32
    %and3A_301 = arith.andi %lt3A_298, %lt3A_300 : i1
    %jit3A_302 = arith.constant 1.000000e+00 : f32
    %jit3A_303 = arith.constant 0.000000e+00 : f32
    %select_n3A_304 = arith.select %and3A_301, %jit3A_302, %jit3A_303 : f32
    %swap3A = arith.constant 0 : index
    %swap3A_305 = memref.load %arg5[%swap3A] : memref<9xf32, #tpu.memory_space<smem>>
    memref.store %mul3A_115, %arg5[%swap3A] : memref<9xf32, #tpu.memory_space<smem>>
    %swap3A_306 = arith.constant 1 : index
    %swap3A_307 = memref.load %arg5[%swap3A_306] : memref<9xf32, #tpu.memory_space<smem>>
    memref.store %sqrt3A_144, %arg5[%swap3A_306] : memref<9xf32, #tpu.memory_space<smem>>
    %swap3A_308 = arith.constant 2 : index
    %swap3A_309 = memref.load %arg5[%swap3A_308] : memref<9xf32, #tpu.memory_space<smem>>
    memref.store %mul3A_3, %arg5[%swap3A_308] : memref<9xf32, #tpu.memory_space<smem>>
    %swap3A_310 = arith.constant 3 : index
    %swap3A_311 = memref.load %arg5[%swap3A_310] : memref<9xf32, #tpu.memory_space<smem>>
    memref.store %select_n3A_150, %arg5[%swap3A_310] : memref<9xf32, #tpu.memory_space<smem>>
    %swap3A_312 = arith.constant 4 : index
    %swap3A_313 = memref.load %arg5[%swap3A_312] : memref<9xf32, #tpu.memory_space<smem>>
    memref.store %mul3A_267, %arg5[%swap3A_312] : memref<9xf32, #tpu.memory_space<smem>>
    %swap3A_314 = arith.constant 5 : index
    %swap3A_315 = memref.load %arg5[%swap3A_314] : memref<9xf32, #tpu.memory_space<smem>>
    memref.store %sqrt3A_296, %arg5[%swap3A_314] : memref<9xf32, #tpu.memory_space<smem>>
    %swap3A_316 = arith.constant 6 : index
    %swap3A_317 = memref.load %arg5[%swap3A_316] : memref<9xf32, #tpu.memory_space<smem>>
    memref.store %mul3A_7, %arg5[%swap3A_316] : memref<9xf32, #tpu.memory_space<smem>>
    %swap3A_318 = arith.constant 7 : index
    %swap3A_319 = memref.load %arg5[%swap3A_318] : memref<9xf32, #tpu.memory_space<smem>>
    memref.store %select_n3A_304, %arg5[%swap3A_318] : memref<9xf32, #tpu.memory_space<smem>>
    %get3A_320 = arith.constant 0 : index
    %get3A_321 = memref.load %arg3[%get3A_320] : memref<1xf32, #tpu.memory_space<smem>>
    %swap3A_322 = arith.constant 8 : index
    %swap3A_323 = memref.load %arg5[%swap3A_322] : memref<9xf32, #tpu.memory_space<smem>>
    memref.store %get3A_321, %arg5[%swap3A_322] : memref<9xf32, #tpu.memory_space<smem>>
    return
  }
}

</mosaic_0001>

<sc_bundles>
// kernel: kernel.4.cloned.1.call-start
scs
__scs_entry_jumppad:
0x0: {  	(pc) =	sbr.rel $0x88, $3  }
0x1: {  	(tag) =	ssettag $0x0;
	lr =	simm.s32 $0x1  }
0x2: {  	[smem:$0x3F9C] =	sst lr;
	_ =	strace $0xD0000000  }
0x3: {  	_ = 	snop  }
0x4: {  	_ = 	snop  }
0x5: {  	_ = 	snop  }
0x6: {  	_ = 	snop  }
0x7: {  	_ = 	snop  }
__scs_overlays_trampoline_lowered:
0x8: {  	[smem:$0x3FAB] =	sst s0  }
0x9: {  	[smem:$0x3FAC] =	sst s1  }
0xa: {  	[smem:$0x3FAD] =	sst s2  }
0xb: {  	[smem:$0x3FAE] =	sst s3  }
0xc: {  	[smem:$0x3FAF] =	sst s4  }
0xd: {  	[smem:$0x3FB0] =	sst s5  }
0xe: {  	[smem:$0x3FB1] =	sst s6  }
0xf: {  	[smem:$0x3FB2] =	sst s7  }
0x10: {  	[smem:$0x3FB3] =	sst s8  }
0x11: {  	[smem:$0x3FB4] =	sst s9;
	s0 =	simm.s32 @!p0 $0x0  }
0x12: {  	s1 =	sld [smem:$0x3F9A];
	s0 =	simm.s32 @p0 $0x1  }
0x13: {  	[smem:$0x3FB5] =	sst s0;
	s0 =	simm.s32 @!p1 $0x0  }
0x14: {  	s2 =	sld [smem:$0x3F99];
	s0 =	simm.s32 @p1 $0x1  }
0x15: {  	[smem:$0x3FB6] =	sst s0;
	s0 =	simm.s32 @!p2 $0x0  }
0x16: {  	s3 =	sld [smem:$0x3FDB];
	s0 =	simm.s32 @p2 $0x1  }
0x17: {  	s4 =	simm.s32 $0x1BF5;
	[smem:$0x3FB8] =	sst s0  }
0x18: {  	s0 =	sld [smem:$0x3F9B];
	_ =	swait.ge [sflag:s4], $0x0  }
0x19: {  	s7 =	sld [smem:$0x3F9C]  }
0x1a: {  	s8 =	sadd.s32 $0xFFFFE003, lr  }
0x1b: {  	s9 =	sadd.s32 $0xFFFFFEF7, lr;
	s5 =	simm.s32 $0xFFFFFFFF;
	p2 =	slt.u32 s8, $0xFFFFF086  }
0x1c: {  	p1 =	slt.u32 s9, $0xF7A;
	s5 =	simm.s32 @!p2 $0x0  }
0x1d: {  	s5 =	simm.s32 @p1 $0x1;
	p0 =	seq.s32 s7, s2  }
0x1e: {  	s7 =	smul.u32 @!p0 $0xF7A, s2;
	p2 =	seq.s32 @!p0 s5, $0x0  }
0x1f: {  	s9 =	smul.u32 $0xF7A, s1;
	s8 =	simm.s32 @!p0 $0x1BF5;
	p2 =	por !p2, p0  }
0x20: {  	[sflag:s8] =	ssyncset.s32 @!p0 $0xFFFFF086;
	s6 =	sadd.s32 @!p0 s3, s7;
	s7 =	simm.s32 @!p0 $0x108  }
0x21: {  	s3 =	sadd.s32 s3, s9;
	s6 =	sadd.s32 @!p0 $0x88, s6;
	s7 =	simm.s32 @p2 $0x1082  }
0x22: {  	[simem:s7], [sflag:s8] =	dma.local @!p0 [hbm:s6], $0xF7A  }
0x23: {  	s9 =	sor.u32 $0xD0000000, s2;
	s6 =	simm.s32 $0x108;
	_ =	swait.ge @!p0 [sflag:s8], $0x0  }
0x24: {  	s3 =	sadd.s32 $0x88, s3;
	s6 =	simm.s32 @!p1 $0x1082;
	[sflag:s4] =	ssyncset.s32 $0xFFFFF086  }
0x25: {  	[simem:s6], [sflag:s4] =	dma.local [hbm:s3], $0xF7A  }
0x26: {  	[smem:$0x3F9C] =	sst s1;
	(tag) =	ssettag s2;
	_ =	strace s9  }
0x27: {  	s1 =	sld [smem:$0x3FAC]  }
0x28: {  	s2 =	sld [smem:$0x3FAD]  }
0x29: {  	s4 =	sld [smem:$0x3FAF]  }
0x2a: {  	p0 =	seq.s32 s5, $0x0;
	s5 =	sld [smem:$0x3FB0]  }
0x2b: {  	s6 =	sld [smem:$0x3FB1]  }
0x2c: {  	s7 =	sld [smem:$0x3FB2]  }
0x2d: {  	s3 =	simm.s32 $0x108;
	s8 =	sld [smem:$0x3FB3]  }
0x2e: {  	s3 =	simm.s32 @!p0 $0x1082;
	s9 =	sld [smem:$0x3FB4]  }
0x2f: {  	lr =	sadd.s32 s0, s3;
	s0 =	sld [smem:$0x3FAB]  }
0x30: {  	s3 =	sld [smem:$0x3FAE]  }
0x31: {  	[smem:$0x3FB7] =	sst s10  }
0x32: {  	s10 =	sld [smem:$0x3FB5];
	_ =	sdelay $0x3  }
0x33: {  	p0 =	seq.s32 s10, $0x1;
	s10 =	sld [smem:$0x3FB7];
	_ =	sdelay $0x3  }
0x34: {  	[smem:$0x3FB7] =	sst s10  }
0x35: {  	s10 =	sld [smem:$0x3FB6];
	_ =	sdelay $0x3  }
0x36: {  	p1 =	seq.s32 s10, $0x1;
	s10 =	sld [smem:$0x3FB7];
	_ =	sdelay $0x3  }
0x37: {  	[smem:$0x3FB7] =	sst s10  }
0x38: {  	s10 =	sld [smem:$0x3FB8]  }
0x39: {  	_ = 	snop;
	(pc) =	sbr.ind lr, $3  }
0x3a: {  	_ = 	snop  }
0x3b: {  	_ = 	snop  }
0x3c: {  	p2 =	seq.s32 s10, $0x1;
	s10 =	sld [smem:$0x3FB7]  }
0x3d: {  	_ =	shalt  }
0x3e: {  	_ =	shalt  }
0x3f: {  	_ =	shalt  }
0x40: {  	_ =	shalt  }
0x41: {  	_ =	shalt  }
0x42: {  	_ =	shalt  }
0x43: {  	_ =	shalt  }
0x44: {  	_ =	shalt  }
0x45: {  	_ =	shalt  }
0x46: {  	_ =	shalt  }
0x47: {  	_ =	shalt  }
0x48: {  	_ =	shalt  }
0x49: {  	_ =	shalt  }
0x4a: {  	_ =	shalt  }
0x4b: {  	_ =	shalt  }
0x4c: {  	_ =	shalt  }
0x4d: {  	_ =	shalt  }
0x4e: {  	_ =	shalt  }
0x4f: {  	_ =	shalt  }
0x50: {  	_ =	shalt  }
0x51: {  	_ =	shalt  }
0x52: {  	_ =	shalt  }
0x53: {  	_ =	shalt  }
0x54: {  	_ =	shalt  }
0x55: {  	_ =	shalt  }
0x56: {  	_ =	shalt  }
0x57: {  	_ =	shalt  }
0x58: {  	_ =	shalt  }
0x59: {  	_ =	shalt  }
0x5a: {  	_ =	shalt  }
0x5b: {  	_ =	shalt  }
0x5c: {  	_ =	shalt  }
0x5d: {  	_ =	shalt  }
0x5e: {  	_ =	shalt  }
0x5f: {  	_ =	shalt  }
0x60: {  	_ =	shalt  }
0x61: {  	_ =	shalt  }
0x62: {  	_ =	shalt  }
0x63: {  	_ =	shalt  }
0x64: {  	_ =	shalt  }
0x65: {  	_ =	shalt  }
0x66: {  	_ =	shalt  }
0x67: {  	_ =	shalt  }
0x68: {  	_ =	shalt  }
0x69: {  	_ =	shalt  }
0x6a: {  	_ =	shalt  }
0x6b: {  	_ =	shalt  }
0x6c: {  	_ =	shalt  }
0x6d: {  	_ =	shalt  }
0x6e: {  	_ =	shalt  }
0x6f: {  	_ =	shalt  }
0x70: {  	_ =	shalt  }
0x71: {  	_ =	shalt  }
0x72: {  	_ =	shalt  }
0x73: {  	_ =	shalt  }
0x74: {  	_ =	shalt  }
0x75: {  	_ =	shalt  }
0x76: {  	_ =	shalt  }
0x77: {  	_ =	shalt  }
0x78: {  	_ =	shalt  }
0x79: {  	_ =	shalt  }
0x7a: {  	_ =	shalt  }
0x7b: {  	_ =	shalt  }
0x7c: {  	_ =	shalt  }
0x7d: {  	_ =	shalt  }
0x7e: {  	_ =	shalt  }
0x7f: {  	_ =	shalt  }
0x80: {  	_ =	shalt  }
0x81: {  	_ =	shalt  }
0x82: {  	_ =	shalt  }
0x83: {  	_ =	shalt  }
0x84: {  	_ =	shalt  }
0x85: {  	_ =	shalt  }
0x86: {  	_ =	shalt  }
0x87: {  	_ =	shalt  }
.Lfunc_end0:
.L_simem_size_0:
called_computation_lowered:
.L_overlay_start_0:
0x88: {  	s2 =	sld [smem:$0x3FD9]  }
0x89: {  	s3 =	sld [smem:$0x3FFE];
	_ =	sdelay $0x1  }
0x8a: {  	s1 =	srdreg.scid  }
0x8b: {  	s0 =	sand.u32 $0x1, s1  }
0x8c: {  	s17 =	sshll.u32 s0, $0xA;
	s2 =	sadd.s32 s3, s2  }
0x8d: {  	s2 =	sadd.s32 s2, s17  }
0x8e: {  	[smem:$0x3FC3] =	sst s2  }
0x8f: {  	_ = 	snop  }
0x90: {  	s2 =	sld [smem:$0x3FD0];
	(tm) =	ssettm $0x1  }
0x91: {  	s18 =	sld [smem:$0x3FFB];
	_ =	sdelay $0x3  }
0x92: {  	_ =	strace s18  }
0x93: {  	s3 =	sld [smem:$0x3FFC];
	_ =	sdelay $0x3  }
0x94: {  	_ =	strace s3  }
0x95: {  	s3 =	sld [smem:$0x3FFD];
	_ =	sdelay $0x3  }
0x96: {  	_ =	strace s3  }
0x97: {  	_ =	strace $0x8FFFFFFF  }
0x98: {  	s19 =	sld [smem:$0x3FDB];
	_ =	sdelay $0x1  }
0x99: {  	s4 =	simm.s32 $_scs_section_size  }
0x9a: {  	s5 =	simm.s32 $_size__tile_overlayer_lowered;
	s6 =	simm.s32 $_tile_overlayer_lowered  }
0x9b: {  	s22 =	simm.s32 $0x1BFF;
	s21 =	sshll.u32 s6, $0x1;
	s3 =	sadd.s32 s4, s19  }
0x9c: {  	s7 =	simm.s32 $0x0;
	s20 =	sshll.u32 s5, $0x1;
	s5 =	sadd.s32 s21, s3  }
0x9d: {  	[timem:s7], [sflag:s22] =	dma.local [hbm:s5], s20  }
0x9e: {  	_ =	swait.ge [sflag:s22], s20  }
0x9f: {  	s4 =	ssub.s32 $0x0, s20;
	[sflag:s22] =	ssyncset.done $0x0  }
0xa0: {  	[sflag:s22] =	ssyncadd.s32 s4;
	_ =	sdelay $0x1  }
0xa1: {  	s23 =	simm.s32 $0x1B8B  }
0xa2: {  	_ =	swait.ge [sflag:s23], $0x1  }
0xa3: {  	[sflag:s23] =	ssyncset.done $0x0  }
0xa4: {  	s25 =	simm.s32 $0x1B8E;
	s24 =	sld [smem:$0x3FFE];
	[sflag:s23] =	ssyncadd.s32 $0xFFFFFFFF  }
0xa5: {  	s26 =	simm.s32 $execute0_lowered;
	[smem:$0x3FD2] =	sst s25  }
0xa6: {  	s5 =	sshll.u32 s26, $0x1;
	_ =	strace $0x80000046;
	[dreg:$0x1] =	wrdreg $0xFFFFFFFF  }
0xa7: {  	s28 =	simm.s32 $_size_execute0_lowered;
	s3 =	sadd.s32 s3, s5;
	[dreg:$0x0] =	wrdreg $0x0  }
0xa8: {  	s5 =	sshll.u32 s28, $0x1;
	[dreg:$0x2] =	wrdreg s3  }
0xa9: {  	[dreg:$0x3] =	wrdreg s5  }
0xaa: {  	[dreg:$0x4] =	wrdreg $0xC0  }
0xab: {  	_ =	task [dreg:s7], $0x5FFFF  }
0xac: {  	[dreg:$0x1] =	wrdreg $0xFFFFFFFF  }
0xad: {  	[dreg:$0x0] =	wrdreg $0x60  }
0xae: {  	[dreg:$0x2] =	wrdreg s2  }
0xaf: {  	[dreg:$0x3] =	wrdreg s24  }
0xb0: {  	[dreg:$0x4] =	wrdreg $0x9  }
0xb1: {  	_ =	task.clear_ibuf [dreg:s7], $0x5FFFF;
	_ =	strace $0x90000046  }
0xb2: {  	s29 =	simm.s32 $0x9;
	_ =	strace $0x80000048  }
0xb3: {  	_ =	swait.ge [sflag:s29], $0x1  }
0xb4: {  	[sflag:s29] =	ssyncadd.s32 $0xFFFFFFFF  }
0xb5: {  	_ =	strace $0x90000048  }
0xb6: {  	_ =	sfence  }
0xb7: {  	s30 =	sld [smem:$0x0];
	_ =	sdelay $0x2  }
0xb8: {  	s31 =	sshll.u32 s1, $0xD;
	s1 =	sshrl.u32 s1, $0x2  }
0xb9: {  	s3 =	sand.u32 $0x4000, s31;
	s1 =	sadd.s32 s1, s30  }
0xba: {  	s0 =	sor.u32 s3, s0;
	s1 =	sshll.u32 s1, $0x11  }
0xbb: {  	s0 =	sor.u32 s1, s0  }
0xbc: {  	s0 =	sadd.s32 $0x8F2B, s0  }
0xbd: {  	[sflag:s0] =	ssyncadd.remote.s32 $0x1  }
0xbe: {  	_ =	sfence.sel $0xFFFF  }
0xbf: {  	[dreg:$0x0] =	wrdreg $0xFFFFFFFF;
	(pc) =	sbr.abs _section_cstart, $3  }
0xc0: {  	[dreg:$0x1] =	wrdreg $0xFFFFFFFF  }
0xc1: {  	_ =	task.clear_ibuf [dreg:s7], $0x2FFFF;
	_ =	strace $0x9FFFFFFF  }
0xc2: {  	(tm) =	ssettm $0x7FFFFFFF  }
0xc3: {  	_ =	shalt  }
tec
execute0_lowered:
.L_overlay_start_1:
0x0: {  	(tag) =	ssettag $0x1  }
0x1: {  	s0 =	rddreg [dreg:$0x1];
	s1 =	srdreg.scid  }
0x2: {  	s16 =	stileid.u32;
	s3 =	simm.s32 $0x0;
	s17 =	simm.s32 $0x80  }
0x3: {  	s18 =	simm.s32 $0x100;
	s19 =	simm.s32 $0x180;
	s20 =	simm.s32 $0xE00  }
0x4: {  	s21 =	simm.s32 $0x1A80;
	s22 =	simm.s32 $0x2700;
	s23 =	simm.s32 $0x2780  }
0x5: {  	s24 =	simm.s32 $0x0;
	s1 =	sand.u32 $0x1, s1;
	s2 =	sshll.u32 s16, $0x1  }
0x6: {  	[smem:$0x7FF] =	sst s3;
	s4 =	sadd.s32 $0xA000, s0;
	s7 =	sshll.u32 s16, $0x3  }
0x7: {  	p0 =	slt.u32 s16, $0x5;
	s2 =	sor.u32 s1, s2;
	_ =	strace $0x80000047  }
0x8: {  	s7 =	sand.u32 $0x60, s7;
	s1 =	ssub.s32 $0x2, s1;
	s5 =	smul.u32 $0xC3, s2  }
0x9: {  	s6 =	smin.u32 s2, $0xA;
	s2 =	sshll.u32 s2, $0x1;
	s31 =	sshrl.u32 s1, $0x1  }
0xa: {  	s2 =	sand.u32 $0xE, s2;
	s1 =	ssub.s32 s1, s31;
	s6 =	sadd.s32 s6, s5  }
0xb: {  	s5 =	sadd.s32 $0xA200, s0;
	s2 =	sor.u32 s7, s2;
	s6 =	sshll.u32 s6, $0x1  }
0xc: {  	s15 =	smax.u32 s1, $0x1;
	s12 =	sadd.s32 s6, s0;
	s6 =	simm.s32 $0xC4  }
0xd: {  	s0 =	sadd.s32 s2, s0;
	s6 =	simm.s32 @!p0 $0xC3;
	s7 =	sadd.s32 $0xC00, s12  }
0xe: {  	s8 =	sadd.s32 $0x3CD4, s12;
	s9 =	sadd.s32 $0x6DA8, s12;
	s10 =	sadd.s32 $0xD86, s12  }
0xf: {  	s11 =	sadd.s32 $0x3E5A, s12;
	s12 =	sadd.s32 $0x6F2E, s12;
	s13 =	sadd.s32 $0xA400, s0  }
0x10: {  	s14 =	sadd.s32 $0xA410, s0;
	p0 =	sgt.u32 s16, $0x4;
	s16 =	simm.s32 $0x1  }
.LBB2_1:
0x11: {  	s0 =	rddreg [dreg:$0x0]  }
0x12: {  	[tilespmem:s3], [sflag:$0x1] =	stream.linear.gather [hbm4b:s0+s3], $0x80, $0x38;
	[tilespmem:$0x2800] =	vst v63  }
0x13: {  	_ =	swait.ge [sflag:s16], $0x80  }
0x14: {  	[sflag:s16] =	ssyncset.done $0x0  }
0x15: {  	[sflag:s16] =	ssyncadd.s32 $0xFFFFFF80  }
0x16: {  	[tilespmem:s17], [sflag:$0x1] =	stream.linear.gather [hbm4b:s4+s3], $0x80, $0x38;
	[tilespmem:$0x2800] =	vst v63  }
0x17: {  	_ =	swait.ge [sflag:s16], $0x80  }
0x18: {  	[sflag:s16] =	ssyncset.done $0x0  }
0x19: {  	[sflag:s16] =	ssyncadd.s32 $0xFFFFFF80  }
0x1a: {  	[tilespmem:s18], [sflag:$0x1] =	stream.linear.gather [hbm4b:s5+s3], $0x80, $0x38;
	[tilespmem:$0x2800] =	vst v63  }
0x1b: {  	_ =	swait.ge [sflag:s16], $0x80  }
0x1c: {  	[sflag:s16] =	ssyncset.done $0x0  }
0x1d: {  	[sflag:s16] =	ssyncadd.s32 $0xFFFFFF80  }
0x1e: {  	[tilespmem:s19], [sflag:$0x1] =	stream.linear.gather [hbm4b:s7+s3], $0xC30, $0x38;
	[tilespmem:$0x2800] =	vst v63  }
0x1f: {  	_ =	swait.ge [sflag:s16], $0xC30  }
0x20: {  	[sflag:s16] =	ssyncset.done $0x0  }
0x21: {  	[sflag:s16] =	ssyncadd.s32 $0xFFFFF3D0  }
0x22: {  	[tilespmem:s20], [sflag:$0x1] =	stream.linear.gather [hbm4b:s8+s3], $0xC30, $0x38;
	[tilespmem:$0x2800] =	vst v63  }
0x23: {  	_ =	swait.ge [sflag:s16], $0xC30  }
0x24: {  	[sflag:s16] =	ssyncset.done $0x0  }
0x25: {  	[sflag:s16] =	ssyncadd.s32 $0xFFFFF3D0  }
0x26: {  	[tilespmem:s21], [sflag:$0x1] =	stream.linear.gather [hbm4b:s9+s3], $0xC30, $0x38;
	[tilespmem:$0x2800] =	vst v63  }
0x27: {  	_ =	swait.ge [sflag:s16], $0xC30  }
0x28: {  	[sflag:s16] =	ssyncset.done $0x0  }
0x29: {  	s1 =	simm.s32 @!p0 $0xDB0;
	s0 =	simm.s32 @!p0 $0x0;
	[sflag:s16] =	ssyncadd.s32 $0xFFFFF3D0  }
0x2a: {  	[tilespmem:s1], [sflag:$0x1] =	stream.linear.gather @!p0 [hbm4b:s10+s0], $0x10, $0x38;
	[tilespmem:$0x2800] =	vst v63  }
0x2b: {  	s1 =	simm.s32 @!p0 $0x1  }
0x2c: {  	_ =	swait.ge @!p0 [sflag:s1], $0x10  }
0x2d: {  	[sflag:s1] =	ssyncset.done @!p0 $0x0  }
0x2e: {  	s2 =	simm.s32 @!p0 $0x1A30;
	[sflag:s1] =	ssyncadd.s32 @!p0 $0xFFFFFFF0  }
0x2f: {  	[tilespmem:s2], [sflag:$0x1] =	stream.linear.gather @!p0 [hbm4b:s11+s0], $0x10, $0x38;
	[tilespmem:$0x2800] =	vst v63  }
0x30: {  	_ =	swait.ge @!p0 [sflag:s1], $0x10  }
0x31: {  	[sflag:s1] =	ssyncset.done @!p0 $0x0  }
0x32: {  	s2 =	simm.s32 @!p0 $0x26B0;
	[sflag:s1] =	ssyncadd.s32 @!p0 $0xFFFFFFF0  }
0x33: {  	[tilespmem:s2], [sflag:$0x1] =	stream.linear.gather @!p0 [hbm4b:s12+s0], $0x10, $0x38;
	[tilespmem:$0x2800] =	vst v63  }
0x34: {  	_ =	swait.ge @!p0 [sflag:s1], $0x10  }
0x35: {  	[sflag:s1] =	ssyncset.done @!p0 $0x0  }
0x36: {  	[sflag:s1] =	ssyncadd.s32 @!p0 $0xFFFFFFF0  }
0x37: {  	v0 =	vld [tilespmem:$0x0]  }
0x38: {  	v1 =	vld [tilespmem:$0x80];
	_ =	sdelay $0x4  }
0x39: {  	v9 =	vld [tilespmem:$0x100];
	v21 =	vsub.f32 v1, v0;
	_ =	sdelay $0x1  }
0x3a: {  	v2 =	vbroadcast v21, $0x0;
	v3 =	vbroadcast v21, $0x1  }
0x3b: {  	v4 =	vbroadcast v21, $0x2;
	v5 =	vbroadcast v21, $0x3  }
0x3c: {  	v6 =	vbroadcast v21, $0x4;
	v7 =	vbroadcast v21, $0x5  }
0x3d: {  	v0 =	vsub.f32 v9, v0;
	v8 =	vbroadcast v21, $0x6;
	v1 =	vbroadcast v21, $0x7  }
0x3e: {  	v9 =	vbroadcast v21, $0x8;
	v10 =	vbroadcast v21, $0x9  }
0x3f: {  	v22 =	vld [tilespmem:s20+$0x0];
	v11 =	vbroadcast v21, $0xA;
	v12 =	vbroadcast v0, $0x0  }
0x40: {  	v26 =	vld [tilespmem:s19+$0x0];
	v13 =	vbroadcast v0, $0x1;
	v14 =	vbroadcast v0, $0x2  }
0x41: {  	v27 =	vld [tilespmem:s21+$0x0];
	v15 =	vbroadcast v0, $0x4;
	v16 =	vbroadcast v0, $0x5  }
0x42: {  	v17 =	vbroadcast v0, $0x6;
	v18 =	vbroadcast v0, $0x8  }
0x43: {  	v19 =	vbroadcast v0, $0x9;
	v20 =	vbroadcast v0, $0xA  }
0x44: {  	s25 =	simm.s32 $0xE10;
	v21 =	vbroadcast v21, $0xB;
	v23 =	vmul.f32 v22, v16  }
0x45: {  	s26 =	simm.s32 $0x190;
	v35 =	vld [tilespmem:s25+$0x0];
	v24 =	vmul.f32 v26, v15;
	v25 =	vmul.f32 v22, v13  }
0x46: {  	v59 =	vld [tilespmem:s26+$0x0];
	v28 =	vmul.f32 v26, v12;
	v30 =	vmul.f32 v27, v17  }
0x47: {  	s2 =	simm.s32 $0x1A90;
	v31 =	vmul.f32 v26, v18;
	v32 =	vmul.f32 v22, v19  }
0x48: {  	v60 =	vld [tilespmem:s2+$0x0];
	v33 =	vmul.f32 v27, v14;
	v57 =	vmul.f32 v26, v2  }
0x49: {  	v58 =	vmul.f32 v26, v9;
	v34 =	vmul.f32 v27, v4  }
0x4a: {  	s26 =	simm.s32 $0x1A0;
	v26 =	vmul.f32 v26, v6;
	v36 =	vmul.f32 v27, v11  }
0x4b: {  	s25 =	simm.s32 $0xE20;
	v52 =	vld [tilespmem:s26+$0x0];
	v62 =	vmul.f32 v35, v13;
	v37 =	vmul.f32 v59, v12  }
0x4c: {  	v50 =	vld [tilespmem:s25+$0x0];
	v38 =	vmul.f32 v59, v18;
	v39 =	vmul.f32 v35, v19  }
0x4d: {  	v41 =	vmul.f32 v60, v14;
	v63 =	vmul.f32 v35, v3  }
0x4e: {  	v45 =	vmul.f32 v35, v10;
	v46 =	vmul.f32 v59, v9  }
0x4f: {  	v47 =	vmul.f32 v59, v2;
	v48 =	vmul.f32 v60, v11  }
0x50: {  	v42 =	vmul.f32 v60, v4;
	v43 =	vmul.f32 v52, v9  }
0x51: {  	v44 =	vmul.f32 v50, v13;
	v54 =	vmul.f32 v52, v2  }
0x52: {  	v29 =	vadd.f32 v23, v24;
	v25 =	vadd.f32 v25, v28;
	v23 =	vbroadcast v0, $0x3  }
0x53: {  	v24 =	vbroadcast v0, $0x7;
	v31 =	vadd.f32 v32, v31;
	v38 =	vadd.f32 v39, v38  }
0x54: {  	v32 =	vmul.f32 v59, v6;
	v49 =	vadd.f32 v45, v46;
	v28 =	vadd.f32 v30, v29  }
0x55: {  	v45 =	vmul.f32 v52, v15;
	v29 =	vmul.f32 v27, v20;
	v30 =	vadd.f32 v33, v25  }
0x56: {  	v46 =	vmul.f32 v52, v12;
	v25 =	vbroadcast v0, $0xB;
	v0 =	vadd.f32 v28, v24  }
0x57: {  	v28 =	vmul.f32 v22, v3;
	v30 =	vadd.f32 v30, v23;
	v29 =	vadd.f32 v29, v31  }
0x58: {  	v44 =	vadd.f32 v44, v46;
	v31 =	vmul.f32 v22, v10;
	v22 =	vmul.f32 v22, v7  }
0x59: {  	v0 =	vmul.f32 v0, v0;
	v30 =	vmul.f32 v30, v30;
	v29 =	vadd.f32 v29, v25  }
0x5a: {  	v39 =	vmul.f32 v52, v6;
	v28 =	vadd.f32 v28, v57;
	v22 =	vadd.f32 v22, v26  }
0x5b: {  	s1 =	simm.s32 $0x1AA0;
	v26 =	vmul.f32 v27, v8;
	v30 =	vadd.f32 v0, v30;
	v29 =	vmul.f32 v29, v29  }
0x5c: {  	v56 =	vld [tilespmem:s1+$0x0];
	v31 =	vadd.f32 v31, v58;
	v58 =	vmul.f32 v50, v3;
	v28 =	vadd.f32 v34, v28  }
0x5d: {  	v22 =	vadd.f32 v26, v22;
	v26 =	vmul.f32 v35, v7;
	v29 =	vadd.f32 v30, v29  }
0x5e: {  	v0 =	vimm.f32 $0.0e+00;
	v27 =	vadd.f32 v28, v5;
	v28 =	vadd.f32 v36, v31  }
0x5f: {  	v31 =	vmul.f32 v59, v15;
	v36 =	vadd.f32 v62, v37;
	v32 =	vadd.f32 v26, v32  }
0x60: {  	v51 =	vadd.f32 v22, v1;
	v59 =	vmul.f32 v50, v10;
	v37 =	vmul.f32 v50, v19  }
0x61: {  	v62 =	vmul.f32 v56, v11;
	v30 =	vadd.f32 $1.000000000e-30, v29;
	v29 =	vmul.f32 v35, v16  }
0x62: {  	v36 =	vadd.f32 v41, v36;
	v28 =	vadd.f32 v28, v21;
	v27 =	vmul.f32 v27, v27  }
0x63: {  	v35 =	vadd.f32 v63, v47;
	v47 =	vmul.f32 v52, v18;
	v63 =	vmul.f32 v56, v8  }
0x64: {  	v61 =	vshrl.u32 v30, $0x1;
	v29 =	vadd.f32 v29, v31;
	v31 =	vmul.f32 v60, v17  }
0x65: {  	v40 =	vmul.f32 $5.000000000e-01, v30;
	v36 =	vadd.f32 v36, v23;
	v35 =	vadd.f32 v42, v35  }
0x66: {  	s26 =	simm.s32 $0x1AB0;
	v28 =	vmul.f32 v28, v28;
	v37 =	vadd.f32 v37, v47;
	v29 =	vadd.f32 v31, v29  }
0x67: {  	v47 =	vld [tilespmem:s26+$0x0];
	v31 =	vmul.f32 v60, v20;
	v34 =	vadd.f32 v35, v5;
	v35 =	vmul.f32 v51, v51  }
0x68: {  	v33 =	vsub.s32 $0x5F3759DF, v61;
	v61 =	vmul.f32 v56, v17;
	v29 =	vadd.f32 v29, v24  }
0x69: {  	s2 =	simm.s32 $0xE30;
	v36 =	vmul.f32 v36, v36;
	v31 =	vadd.f32 v31, v38;
	v27 =	vadd.f32 v35, v27  }
0x6a: {  	v38 =	vmul.f32 v56, v4;
	v35 =	vadd.f32 v59, v43;
	v43 =	vld [tilespmem:s2+$0x0];
	v34 =	vmul.f32 v34, v34  }
0x6b: {  	v29 =	vmul.f32 v29, v29;
	v31 =	vadd.f32 v31, v25;
	v27 =	vadd.f32 v27, v28  }
0x6c: {  	v28 =	vmul.f32 v50, v16;
	v35 =	vadd.f32 v62, v35;
	v62 =	vmul.f32 v47, v17  }
0x6d: {  	v29 =	vadd.f32 v29, v36;
	v31 =	vmul.f32 v31, v31;
	v36 =	vadd.f32 v48, v49  }
0x6e: {  	v28 =	vadd.f32 v28, v45;
	v48 =	vmul.f32 v56, v14;
	v49 =	vadd.f32 $1.000000000e-30, v27  }
0x6f: {  	v45 =	vmul.f32 v43, v7;
	v26 =	vadd.f32 v29, v31;
	v29 =	vmul.f32 v33, v33  }
0x70: {  	v31 =	vmul.f32 v60, v8;
	v36 =	vadd.f32 v36, v21;
	v60 =	vmul.f32 v50, v7  }
0x71: {  	v27 =	vadd.f32 v61, v28;
	v28 =	vmul.f32 v56, v20;
	v44 =	vadd.f32 v48, v44  }
0x72: {  	v53 =	vshrl.u32 v49, $0x1;
	v42 =	vmul.f32 $5.000000000e-01, v49;
	v22 =	vadd.f32 $1.000000000e-30, v26  }
0x73: {  	v50 =	vmul.f32 v43, v3;
	v31 =	vadd.f32 v31, v32;
	v27 =	vadd.f32 v27, v24  }
0x74: {  	v29 =	vmul.f32 v29, v40;
	v44 =	vadd.f32 v44, v23;
	v28 =	vadd.f32 v28, v37  }
0x75: {  	v39 =	vadd.f32 v60, v39;
	v36 =	vmul.f32 v36, v36;
	v57 =	vshrl.u32 v22, $0x1  }
0x76: {  	v26 =	vmul.f32 $5.000000000e-01, v22;
	v29 =	vsub.f32 $1.500000000e+00, v29;
	v27 =	vmul.f32 v27, v27  }
0x77: {  	v55 =	vmul.f32 v44, v44;
	v28 =	vadd.f32 v28, v25;
	v31 =	vadd.f32 v31, v1  }
0x78: {  	s25 =	simm.s32 $0x1B0;
	v39 =	vadd.f32 v63, v39;
	v41 =	vsub.s32 $0x5F3759DF, v57;
	v48 =	vmul.f32 v33, v29  }
0x79: {  	v44 =	vld [tilespmem:s25+$0x0];
	v29 =	vsub.s32 $0x5F3759DF, v53;
	v33 =	vadd.f32 v58, v54;
	v28 =	vmul.f32 v28, v28  }
0x7a: {  	v27 =	vadd.f32 v27, v55;
	v31 =	vmul.f32 v31, v31;
	v56 =	vmul.f32 v29, v29  }
0x7b: {  	v53 =	vmul.f32 v43, v13;
	v54 =	vmul.f32 v43, v16;
	v33 =	vadd.f32 v38, v33  }
0x7c: {  	v57 =	vmul.f32 v48, v48;
	v27 =	vadd.f32 v27, v28;
	v37 =	vmul.f32 v56, v42  }
0x7d: {  	v28 =	vmul.f32 v41, v41;
	v31 =	vadd.f32 v31, v34;
	v34 =	vmul.f32 v43, v10  }
0x7e: {  	v43 =	vmul.f32 v43, v19;
	v52 =	vmul.f32 v44, v9;
	v37 =	vsub.f32 $1.500000000e+00, v37  }
0x7f: {  	v55 =	vmul.f32 v44, v15;
	v58 =	vmul.f32 v57, v40;
	v27 =	vadd.f32 $1.000000000e-30, v27  }
0x80: {  	v32 =	vadd.f32 v33, v5;
	v59 =	vmul.f32 v28, v26;
	v51 =	vmul.f32 v29, v37  }
0x81: {  	v54 =	vadd.f32 v54, v55;
	v60 =	vshrl.u32 v27, $0x1;
	v56 =	vsub.f32 $1.500000000e+00, v58  }
0x82: {  	v28 =	vmul.f32 $5.000000000e-01, v27;
	v29 =	vadd.f32 v31, v36;
	v31 =	vmul.f32 v51, v51  }
0x83: {  	v38 =	vsub.f32 $1.500000000e+00, v59;
	v37 =	vmul.f32 v47, v11;
	v55 =	vmul.f32 v56, v48  }
0x84: {  	v36 =	vmul.f32 v47, v8;
	v29 =	vadd.f32 $1.000000000e-30, v29;
	v57 =	vmul.f32 v31, v42  }
0x85: {  	v33 =	vsub.s32 $0x5F3759DF, v60;
	v58 =	vmul.f32 v55, v55;
	v31 =	vmul.f32 v41, v38  }
0x86: {  	v41 =	vmul.f32 v44, v12;
	v63 =	vshrl.u32 v29, $0x1;
	v61 =	vsub.f32 $1.500000000e+00, v57  }
0x87: {  	v38 =	vsub.s32 $0x5F3759DF, v63;
	v63 =	vmul.f32 v47, v20;
	v40 =	vmul.f32 v58, v40  }
0x88: {  	v60 =	vadd.f32 v62, v54;
	v57 =	vmul.f32 v44, v18;
	v46 =	vmul.f32 v61, v51  }
0x89: {  	v41 =	vadd.f32 v53, v41;
	v53 =	vmul.f32 v44, v6;
	v44 =	vmul.f32 v44, v2  }
0x8a: {  	v40 =	vsub.f32 $1.500000000e+00, v40;
	v61 =	vmul.f32 v47, v14;
	v62 =	vmul.f32 v46, v46  }
0x8b: {  	v51 =	vadd.f32 v60, v24;
	v43 =	vadd.f32 v43, v57;
	v47 =	vmul.f32 v47, v4  }
0x8c: {  	v44 =	vadd.f32 v50, v44;
	v54 =	vadd.f32 v61, v41;
	v42 =	vmul.f32 v62, v42  }
0x8d: {  	v41 =	vadd.f32 v34, v52;
	v57 =	vmul.f32 v51, v51;
	v43 =	vadd.f32 v63, v43  }
0x8e: {  	v34 =	vmul.f32 $5.000000000e-01, v29;
	v61 =	vmul.f32 v38, v38;
	v42 =	vsub.f32 $1.500000000e+00, v42  }
0x8f: {  	v63 =	vmul.f32 v40, v55;
	v59 =	vadd.f32 v54, v23;
	v43 =	vadd.f32 v43, v25  }
0x90: {  	v35 =	vadd.f32 v35, v21;
	v62 =	vmul.f32 v31, v31;
	v42 =	vmul.f32 v42, v46  }
0x91: {  	s28 =	simm.s32 $0x1;
	v44 =	vadd.f32 v47, v44;
	v60 =	vmul.f32 v59, v59;
	v48 =	vmul.f32 v43, v43  }
0x92: {  	p1 =	sgt.u32 s6, $0x0;
	s29 =	simm.s32 $0x4;
	s2 =	simm.f32 $1.000000000e+00;
	v43 =	vadd.f32 v45, v53;
	v45 =	vmul.f32 v61, v34;
	v49 =	vmul.f32 v42, v49  }
0x93: {  	s30 =	simm.s32 $0x1C0;
	s31 =	simm.s32 $0xE40;
	s2 =	simm.s32 @!p1 $0x0;
	v47 =	vadd.f32 v57, v60;
	v46 =	vadd.f32 v44, v5;
	v44 =	vmul.f32 v63, v30  }
0x94: {  	s0 =	simm.s32 $0x1AC0;
	s26 =	simm.s32 $0x3;
	s25 =	simm.s32 $0x2;
	v30 =	vimm.f32 $0.0e+00;
	v42 =	vmul.f32 v62, v26;
	v40 =	vmul.f32 s2, v49  }
.LBB2_2:
0x95: {  	v49 =	vld [tilespmem:s31+$0x0];
	p1 =	sne.s32 s29, $0xC3;
	v47 =	vadd.f32 v47, v48;
	v39 =	vadd.f32 v39, v1;
	v48 =	vmul.f32 v33, v33;
	s1 =	smov.u32 s29;
	s29 =	sadd.s32 $0x1, s29  }
0x96: {  	v51 =	vmul.f32 v35, v35;
	v50 =	vld [tilespmem:s0+$0x0];
	v0 =	vadd.f32 v40, v0;
	v35 =	vmul.f32 s2, v44  }
0x97: {  	v37 =	vadd.f32 v37, v41;
	v40 =	vld [tilespmem:s30+$0x0];
	v52 =	vadd.f32 $1.000000000e-30, v47;
	v41 =	vmul.f32 v48, v28  }
0x98: {  	v44 =	vmul.f32 v32, v32;
	v32 =	vmovc v46;
	v39 =	vmul.f32 v39, v39;
	v30 =	vadd.f32 v35, v30  }
0x99: {  	v45 =	vsub.f32 $1.500000000e+00, v45;
	v46 =	vshrl.u32 v52, $0x1;
	v47 =	vmul.f32 $5.000000000e-01, v52  }
0x9a: {  	v35 =	vadd.f32 v37, v21;
	v37 =	vadd.f32 v39, v44;
	v48 =	vmul.f32 v49, v3  }
0x9b: {  	v45 =	vmul.f32 v38, v45;
	v41 =	vsub.f32 $1.500000000e+00, v41;
	v44 =	vmul.f32 v49, v10  }
0x9c: {  	v54 =	vmul.f32 v49, v13;
	v38 =	vadd.f32 v37, v51;
	v53 =	vmul.f32 v40, v9  }
0x9d: {  	v39 =	vadd.f32 v36, v43;
	v36 =	vmul.f32 v45, v45;
	v51 =	vmul.f32 v49, v16  }
0x9e: {  	v42 =	vsub.f32 $1.500000000e+00, v42;
	v43 =	vmul.f32 v49, v7;
	v55 =	vmul.f32 v40, v15  }
0x9f: {  	v37 =	vmul.f32 v50, v11;
	v56 =	vadd.f32 $1.000000000e-30, v38;
	v38 =	vmul.f32 v36, v34  }
0xa0: {  	v57 =	vmul.f32 v33, v41;
	v33 =	vsub.s32 $0x5F3759DF, v46;
	v36 =	vmul.f32 v50, v8  }
0xa1: {  	v41 =	vmul.f32 v40, v12;
	v46 =	vshrl.u32 v56, $0x1;
	v58 =	vsub.f32 $1.500000000e+00, v38  }
0xa2: {  	v59 =	vmul.f32 v40, v18;
	v51 =	vadd.f32 v51, v55;
	v55 =	vmul.f32 v50, v17  }
0xa3: {  	v49 =	vmul.f32 v49, v19;
	v38 =	vsub.s32 $0x5F3759DF, v46;
	v45 =	vmul.f32 v58, v45  }
0xa4: {  	v42 =	vmul.f32 v42, v31;
	v31 =	vmovc v57;
	v46 =	vmul.f32 v50, v14;
	v51 =	vadd.f32 v55, v51  }
0xa5: {  	v41 =	vadd.f32 v54, v41;
	v55 =	vmul.f32 v40, v6;
	v54 =	vmul.f32 v45, v45  }
0xa6: {  	v60 =	vmul.f32 v42, v42;
	v58 =	vmul.f32 v50, v20;
	v51 =	vadd.f32 v51, v24  }
0xa7: {  	v40 =	vmul.f32 v40, v2;
	v46 =	vadd.f32 v46, v41;
	v34 =	vmul.f32 v54, v34  }
0xa8: {  	v41 =	vadd.f32 v44, v53;
	v44 =	vadd.f32 v49, v59;
	v49 =	vmul.f32 v51, v51  }
0xa9: {  	v50 =	vmul.f32 v50, v4;
	v46 =	vadd.f32 v46, v23;
	v51 =	vsub.f32 $1.500000000e+00, v34  }
0xaa: {  	v53 =	vmul.f32 v60, v26;
	v26 =	vmovc v28;
	v28 =	vmovc v47;
	v44 =	vadd.f32 v58, v44;
	v34 =	vmul.f32 $5.000000000e-01, v56  }
0xab: {  	v40 =	vadd.f32 v48, v40;
	v46 =	vmul.f32 v46, v46;
	v45 =	vmul.f32 v51, v45  }
.Ltmp0:
0xac: {  	v53 =	vsub.f32 $1.500000000e+00, v53;
	v44 =	vadd.f32 v44, v25;
	v51 =	vmul.f32 v38, v38;
	(pc) =	sbr.rel @p1 .LBB2_2-.Ltmp0, $4  }
0xad: {  	p2 =	slt.u32 s28, s6;
	v40 =	vadd.f32 v50, v40;
	v50 =	vmul.f32 v57, v31;
	v54 =	vmul.f32 v45, v29;
	v29 =	vmovc v56  }
0xae: {  	s28 =	smov.u32 s25;
	s25 =	smov.u32 s26;
	s2 =	simm.f32 $1.000000000e+00;
	v47 =	vadd.f32 v49, v46;
	v48 =	vmul.f32 v44, v44;
	v44 =	vmul.f32 v53, v42  }
0xaf: {  	s26 =	smov.u32 s1;
	s2 =	simm.s32 @!p2 $0x0;
	v43 =	vadd.f32 v43, v55;
	v42 =	vmul.f32 v50, v26;
	v45 =	vmul.f32 v51, v34  }
0xb0: {  	s31 =	sadd.s32 $0x10, s31;
	s0 =	sadd.s32 $0x10, s0;
	s30 =	sadd.s32 $0x10, s30;
	v46 =	vadd.f32 v40, v5;
	v44 =	vmul.f32 v44, v22;
	v22 =	vmovc v27;
	v27 =	vmovc v52;
	v40 =	vmul.f32 s2, v54  }
0xb1: {  	v2 =	vadd.f32 v39, v1;
	v3 =	vadd.f32 v36, v43  }
0xb2: {  	v4 =	vadd.f32 v47, v48;
	v5 =	vmul.f32 v32, v32;
	v6 =	vadd.f32 v37, v41  }
0xb3: {  	v23 =	vmul.f32 v35, v35;
	v2 =	vmul.f32 v2, v2;
	v20 =	vadd.f32 v3, v1  }
0xb4: {  	v7 =	vsub.f32 $1.500000000e+00, v45;
	v8 =	vmul.f32 v33, v33;
	v25 =	vmul.f32 v46, v46  }
0xb5: {  	v24 =	vadd.f32 v6, v21;
	v2 =	vadd.f32 v2, v5;
	v1 =	vmul.f32 v20, v20  }
0xb6: {  	v12 =	vsub.f32 $1.500000000e+00, v42;
	v18 =	vmul.f32 s2, v44;
	v7 =	vmul.f32 v38, v7  }
0xb7: {  	v35 =	vmul.f32 v24, v24;
	v2 =	vadd.f32 v2, v23;
	v1 =	vadd.f32 v1, v25  }
0xb8: {  	v32 =	vadd.f32 $1.000000000e-30, v4;
	v37 =	vmul.f32 v8, v28;
	v12 =	vmul.f32 v12, v31  }
0xb9: {  	v36 =	vmul.f32 v7, v7;
	v2 =	vadd.f32 $1.000000000e-30, v2;
	v1 =	vadd.f32 v1, v35  }
0xba: {  	v38 =	vshrl.u32 v32, $0x1;
	v39 =	vmul.f32 $5.000000000e-01, v32;
	v17 =	vmul.f32 v12, v12  }
0xbb: {  	v8 =	vsub.s32 $0x5F3759DF, v38;
	v9 =	vshrl.u32 v2, $0x1;
	v1 =	vadd.f32 $1.000000000e-30, v1  }
0xbc: {  	v5 =	vmul.f32 v36, v34;
	v15 =	vmul.f32 v8, v8;
	v9 =	vsub.s32 $0x5F3759DF, v9  }
0xbd: {  	v10 =	vmul.f32 $5.000000000e-01, v2;
	v11 =	vmul.f32 v9, v9;
	v13 =	vshrl.u32 v1, $0x1  }
0xbe: {  	v5 =	vsub.f32 $1.500000000e+00, v5;
	v43 =	vmul.f32 $5.000000000e-01, v1;
	v42 =	vsub.s32 $0x5F3759DF, v13  }
0xbf: {  	v6 =	vsub.f32 $1.500000000e+00, v37;
	v41 =	vmul.f32 v11, v10;
	v14 =	vmul.f32 v42, v42  }
0xc0: {  	v15 =	vmul.f32 v15, v39;
	v5 =	vmul.f32 v5, v7  }
0xc1: {  	v6 =	vmul.f32 v33, v6;
	v7 =	vsub.f32 $1.500000000e+00, v41;
	v14 =	vmul.f32 v14, v43  }
0xc2: {  	v46 =	vmul.f32 v17, v26;
	v15 =	vsub.f32 $1.500000000e+00, v15;
	v16 =	vmul.f32 v5, v5  }
0xc3: {  	v48 =	vmul.f32 v6, v6;
	v7 =	vmul.f32 v9, v7;
	v44 =	vsub.f32 $1.500000000e+00, v14  }
0xc4: {  	v8 =	vmul.f32 v8, v15;
	v45 =	vmul.f32 v16, v34  }
0xc5: {  	v47 =	vmul.f32 v7, v7;
	v9 =	vmul.f32 v42, v44  }
0xc6: {  	v11 =	vmul.f32 v48, v28;
	v19 =	vmul.f32 v8, v8  }
0xc7: {  	v49 =	vmul.f32 v47, v10;
	v50 =	vmul.f32 v9, v9  }
0xc8: {  	v16 =	vsub.f32 $1.500000000e+00, v46;
	v11 =	vsub.f32 $1.500000000e+00, v11;
	v19 =	vmul.f32 v19, v39  }
0xc9: {  	v14 =	vsub.f32 $1.500000000e+00, v45;
	v15 =	vsub.f32 $1.500000000e+00, v49;
	v17 =	vmul.f32 v50, v43  }
0xca: {  	v12 =	vmul.f32 v16, v12;
	v6 =	vmul.f32 v11, v6;
	v52 =	vsub.f32 $1.500000000e+00, v19  }
0xcb: {  	v5 =	vmul.f32 v14, v5;
	v7 =	vmul.f32 v15, v7;
	v51 =	vsub.f32 $1.500000000e+00, v17  }
0xcc: {  	v53 =	vmul.f32 v6, v6;
	v8 =	vmul.f32 v52, v8  }
0xcd: {  	v15 =	vmul.f32 v7, v7;
	v9 =	vmul.f32 v51, v9  }
0xce: {  	v14 =	vmul.f32 v53, v28;
	v55 =	vmul.f32 v8, v8  }
0xcf: {  	v10 =	vmul.f32 v15, v10;
	v54 =	vmul.f32 v9, v9  }
0xd0: {  	p1 =	slt.u32 s28, s6;
	s0 =	simm.f32 $1.000000000e+00;
	v12 =	vmul.f32 v12, v22;
	v56 =	vsub.f32 $1.500000000e+00, v14;
	v4 =	vmul.f32 v55, v39  }
0xd1: {  	s0 =	simm.s32 @!p1 $0x0;
	v5 =	vmul.f32 v5, v29;
	v10 =	vsub.f32 $1.500000000e+00, v10;
	v11 =	vmul.f32 v54, v43  }
0xd2: {  	v58 =	vmul.f32 s0, v12;
	v6 =	vmul.f32 v56, v6;
	v4 =	vsub.f32 $1.500000000e+00, v4  }
0xd3: {  	v5 =	vmul.f32 s0, v5;
	v7 =	vmul.f32 v10, v7;
	v57 =	vsub.f32 $1.500000000e+00, v11  }
0xd4: {  	p1 =	slt.u32 s25, s6;
	v60 =	vadd.f32 v18, v30;
	s0 =	simm.f32 $1.000000000e+00;
	v6 =	vmul.f32 v6, v27;
	v4 =	vmul.f32 v4, v8  }
0xd5: {  	v0 =	vadd.f32 v40, v0;
	s0 =	simm.s32 @!p1 $0x0;
	v2 =	vmul.f32 v7, v2;
	v59 =	vmul.f32 v57, v9  }
0xd6: {  	s1 =	simm.f32 $1.000000000e+00;
	v61 =	vadd.f32 v58, v60;
	p1 =	slt.u32 s26, s6;
	v6 =	vmul.f32 s0, v6;
	v3 =	vmul.f32 v4, v32  }
0xd7: {  	v0 =	vadd.f32 v5, v0;
	s1 =	simm.s32 @!p1 $0x0;
	v2 =	vmul.f32 s0, v2;
	v1 =	vmul.f32 v59, v1  }
0xd8: {  	v62 =	vadd.f32 v6, v61;
	v3 =	vmul.f32 s1, v3  }
0xd9: {  	v0 =	vadd.f32 v2, v0;
	v1 =	vmul.f32 s1, v1  }
0xda: {  	v63 =	vadd.f32 v3, v62  }
0xdb: {  	v0 =	vadd.f32 v1, v0  }
0xdc: {  	[tilespmem:$0x2780] =	vst v63  }
0xdd: {  	[tilespmem:$0x2700] =	vst v0  }
0xde: {  	[hbm4b:s13+s3] =	stream.linear.scatter [tilespmem:s22], [sflag:$0x1], $0x10, $0x38;
	[tilespmem:$0x2800] =	vst v63  }
0xdf: {  	s24 =	sadd.s32 $0x1, s24;
	_ =	swait.ge [sflag:s16], $0x10  }
0xe0: {  	p1 =	sne.s32 s24, s15;
	[sflag:s16] =	ssyncset.done $0x0  }
.Ltmp1:
0xe1: {  	[sflag:s16] =	ssyncadd.s32 $0xFFFFFFF0;
	(pc) =	sbr.rel @p1 .LBB2_1-.Ltmp1, $4  }
0xe2: {  	[hbm4b:s14+s3] =	stream.linear.scatter [tilespmem:s23], [sflag:$0x1], $0x10, $0x38;
	[tilespmem:$0x2800] =	vst v63  }
0xe3: {  	_ =	swait.ge [sflag:s16], $0x10  }
0xe4: {  	[sflag:s16] =	ssyncset.done $0x0  }
0xe5: {  	[sflag:s16] =	ssyncadd.s32 $0xFFFFFFF0  }
0xe6: {  	_ =	sfence.sel $0x180000  }
0xe7: {  	[bflag:$0x0] =	sbarrier.arrive $0xFFFF  }
0xe8: {  	_ =	strace $0x90000047  }
0xe9: {  	s0 =	stileid.u32;
	[bflag:$0x2] =	sbarrier.arrive $0xFFFF  }
0xea: {  	p0 =	sne.s32 s0, $0x0;
	s0 =	rddreg [dreg:$0x2]  }
0xeb: {  	s0 =	sadd.s32 @!p0 $0x100000, s0  }
0xec: {  	[sflag:s0] =	ssyncadd.tile.s32 @!p0 $0x1;
	_ =	shalt  }
.Lfunc_end2:
_tile_overlayer_lowered:
.L_overlay_start_2:
0xed: {  	(tag) =	ssettag $0x2  }
0xee: {  	s0 =	rddreg [dreg:$0x0];
	s2 =	stileid.u32  }
0xef: {  	s1 =	rddreg [dreg:$0x1];
	p0 =	sne.s32 s2, $0x0  }
0xf0: {  	s3 =	rddreg [dreg:$0x2];
	[bflag:$0x3] =	sbarrier.arrive $0xFFFF;
	s2 =	simm.s32 @!p0 $0x1C01  }
0xf1: {  	[timem:s3], [sflag:s2] =	dma.local @!p0 [hbm:s0], s1  }
0xf2: {  	s0 =	simm.s32 @!p0 $0x1  }
0xf3: {  	_ =	swait.ge @!p0 [sflag:s0], s1  }
0xf4: {  	s1 =	ssub.s32 @!p0 $0x0, s1;
	[sflag:s0] =	ssyncset.done @!p0 $0x0  }
0xf5: {  	[sflag:s0] =	ssyncadd.s32 @!p0 s1  }
0xf6: {  	[bflag:$0x3] =	sbarrier.arrive $0xFFFF  }
0xf7: {  	_ =	shalt  }

</sc_bundles>
